<compile_context>
chip_gen: v7x
topology: tpu7x:2x2x1
jax: 0.10.2.dev20260603
libtpu: 0.0.44.dev20260713+nightly
codegen_flags: <defaults>
</compile_context>

<pallas_src>
import functools

import jax
import jax.numpy as jnp
from jax import lax
from jax.experimental import pallas as pl
from jax.experimental.pallas import tpu as pltpu
from jax.experimental.pallas import tpu_sc as plsc

NC = 2
NS = 16
NW = NC * NS
CHUNK = 128
G = 16
KSUB = 4


@functools.partial(jax.jit, static_argnums=(2,))
def _sc_gather(view16, idx4, R):
    nchunk = idx4.shape[1]
    rows_w = nchunk * CHUNK * KSUB
    mesh = plsc.VectorSubcoreMesh(
        core_axis_name="c", subcore_axis_name="s", num_cores=NC, num_subcores=NS
    )

    @functools.partial(
        pl.kernel,
        mesh=mesh,
        compiler_params=pltpu.CompilerParams(
            use_tc_tiling_on_sc=False, needs_layout_passes=False
        ),
        out_type=jax.ShapeDtypeStruct((R * KSUB, G), jnp.float32),
        scratch_types=[
            pltpu.VMEM((nchunk, KSUB, CHUNK), jnp.int32),
            pltpu.VMEM((KSUB * CHUNK, G), jnp.float32),
            pltpu.VMEM((KSUB * CHUNK, G), jnp.float32),
            pltpu.SemaphoreType.DMA,
            pltpu.SemaphoreType.DMA,
        ],
    )
    def k(view_hbm, idx4_hbm, out_hbm, idx4_v, b4a, b4b, sema, semb):
        wid = lax.axis_index("s") * NC + lax.axis_index("c")
        base = wid * rows_w
        pltpu.sync_copy(idx4_hbm.at[wid], idx4_v)

        def start4(j, buf, sem):
            for t in range(KSUB):
                pltpu.make_async_copy(
                    view_hbm.at[idx4_v.at[j, t]],
                    buf.at[pl.ds(t * CHUNK, CHUNK)],
                    sem,
                ).start()

        def wait4(j, buf, sem):
            for t in range(KSUB):
                pltpu.make_async_copy(
                    view_hbm.at[idx4_v.at[j, t]],
                    buf.at[pl.ds(t * CHUNK, CHUNK)],
                    sem,
                ).wait()

        start4(0, b4a, sema)

        def chunkbody(i, _):
            j0 = i * 2
            for jj, bb, ss, nb, ns in (
                (j0, b4a, sema, b4b, semb),
                (j0 + 1, b4b, semb, b4a, sema),
            ):
                @pl.when(jj + 1 < nchunk)
                def _():
                    start4(jj + 1, nb, ns)

                wait4(jj, bb, ss)
                pltpu.sync_copy(
                    bb, out_hbm.at[pl.ds(base + jj * CHUNK * KSUB, CHUNK * KSUB)]
                )
            return 0

        lax.fori_loop(0, nchunk // 2, chunkbody, 0)

    return k(view16, idx4)


def _mlp(emb_cat, num_inputs, W1a, W1b, b1, W2, b2, Wout, bout):
    B, E = emb_cat.shape
    NUMD = num_inputs.shape[1]
    H1 = W1a.shape[1]
    H2 = W2.shape[1]
    BLK = 1024

    def body(emb_ref, num_ref, w1a_ref, w1b_ref, b1_ref, w2_ref, b2_ref,
             wout_ref, bout_ref, out_ref):
        x1 = jnp.dot(emb_ref[...], w1a_ref[...], preferred_element_type=jnp.float32)
        x1 = x1 + jnp.dot(num_ref[...], w1b_ref[...], preferred_element_type=jnp.float32)
        h1 = jnp.maximum(x1 + b1_ref[...], 0.0)
        h2 = jnp.maximum(
            jnp.dot(h1, w2_ref[...], preferred_element_type=jnp.float32) + b2_ref[...],
            0.0,
        )
        out_ref[...] = (
            jnp.dot(h2, wout_ref[...], preferred_element_type=jnp.float32)
            + bout_ref[...]
        )

    out = pl.pallas_call(
        body,
        grid=(B // BLK,),
        in_specs=[
            pl.BlockSpec((BLK, E), lambda i: (i, 0)),
            pl.BlockSpec((BLK, NUMD), lambda i: (i, 0)),
            pl.BlockSpec((E, H1), lambda i: (0, 0)),
            pl.BlockSpec((NUMD, H1), lambda i: (0, 0)),
            pl.BlockSpec((1, H1), lambda i: (0, 0)),
            pl.BlockSpec((H1, H2), lambda i: (0, 0)),
            pl.BlockSpec((1, H2), lambda i: (0, 0)),
            pl.BlockSpec((H2, 1), lambda i: (0, 0)),
            pl.BlockSpec((1, 1), lambda i: (0, 0)),
        ],
        out_specs=pl.BlockSpec((BLK, 1), lambda i: (i, 0)),
        out_shape=jax.ShapeDtypeStruct((B, 1), jnp.float32),
    )(
        emb_cat,
        num_inputs,
        W1a,
        W1b,
        b1.reshape(1, H1),
        W2,
        b2.reshape(1, H2),
        Wout,
        bout.reshape(1, 1),
    )
    return out[:, 0]


def kernel(cat_inputs, num_inputs, tables, W1, b1, W2, b2, Wout, bout):
    F, V, D = tables.shape
    B = cat_inputs.shape[0]
    R = B * F
    DP = 64
    nchunk = R // (NW * CHUNK)
    padded = jnp.pad(tables.reshape(F * V, D), ((0, 0), (0, 128 - D)))
    view16 = padded.reshape(F * V * 128 // G, G)
    idx = (cat_inputs.astype(jnp.int32)
           + jnp.arange(F, dtype=jnp.int32)[None, :] * V).reshape(-1)
    idx4 = ((idx * (128 // G))[:, None]
            + jnp.arange(KSUB, dtype=jnp.int32)[None, :])
    idx4 = idx4.reshape(NW, nchunk, KSUB, CHUNK)
    emb = _sc_gather(view16, idx4, R)
    emb_cat = emb.reshape(B, F * DP)
    W1a = W1[: F * D].reshape(F, D, -1)
    W1a = jnp.pad(W1a, ((0, 0), (0, DP - D), (0, 0))).reshape(F * DP, -1)
    W1b = W1[F * D :]
    return _mlp(emb_cat, num_inputs, W1a, W1b, b1, W2, b2, Wout, bout)

# --- scband reference (transcript-rebuilt; emitter-appended) ---
"""Pipeline reference for scband-ctrmodel-55430847922392 (READ-ONLY COPY).

The authoritative reference and input builder live on the scoring server;
editing this copy changes nothing except your own understanding.
"""

import jax, jax.numpy as jnp
import numpy as np

N_FIELDS = 26
VOCAB = 100000
EMB = 50  # get_emb_dim(100000) = min(50, round(sqrt(100000))*2) = 50
B = 16384
NUM = 13
H1, H2 = 128, 64
IN_DIM = N_FIELDS * EMB + NUM  # 1313


def setup_inputs(seed: int = 0) -> dict:
    key = jax.random.key(seed)
    ks = jax.random.split(key, 10)
    cat_inputs = jax.random.randint(ks[0], (B, N_FIELDS), 0, VOCAB, dtype=jnp.int32)
    num_inputs = jax.random.normal(ks[1], (B, NUM), dtype=jnp.float32)
    tables = jax.random.normal(ks[2], (N_FIELDS, VOCAB, EMB), dtype=jnp.float32) * 0.01
    # padding_idx=0: row 0 initialized to zeros in torch nn.Embedding
    tables = tables.at[:, 0, :].set(0.0)
    W1 = jax.random.normal(ks[3], (IN_DIM, H1), dtype=jnp.float32) * 0.02
    b1 = jnp.zeros((H1,), dtype=jnp.float32)
    W2 = jax.random.normal(ks[4], (H1, H2), dtype=jnp.float32) * 0.02
    b2 = jnp.zeros((H2,), dtype=jnp.float32)
    Wout = jax.random.normal(ks[5], (H2, 1), dtype=jnp.float32) * 0.02
    bout = jnp.zeros((1,), dtype=jnp.float32)
    return {"cat_inputs": cat_inputs, "num_inputs": num_inputs, "tables": tables,
            "W1": W1, "b1": b1, "W2": W2, "b2": b2, "Wout": Wout, "bout": bout}


def reference(cat_inputs, num_inputs, tables, W1, b1, W2, b2, Wout, bout):
    # per-field embedding lookup, concatenated in field order (same as torch cat of emb_list)
    emb = jax.vmap(lambda t, idx: jnp.take(t, idx, axis=0), in_axes=(0, 1), out_axes=1)(tables, cat_inputs)
    emb_cat = emb.reshape(emb.shape[0], -1)  # [B, 26*50]
    x = jnp.concatenate([emb_cat, num_inputs], axis=1)  # [B, 1313]
    x = jax.nn.relu(x @ W1 + b1)  # dropout is identity in eval mode
    x = jax.nn.relu(x @ W2 + b2)
    logits = (x @ Wout + bout).squeeze(1)
    return logits

if __name__ == "__main__":
    import jax
    _d = setup_inputs()
    print(jax.jit(kernel)(*tuple(_d.values())))

</pallas_src>

<mosaic_0001>
#map = affine_map<(d0, d1) -> (0, 0)>
#map1 = affine_map<(d0, d1) -> (0, 0, 0, 0)>
module attributes {stable_mosaic.version = 14 : i64} {
  func.func @k(%arg0: i32, %arg1: i32, %arg2: memref<20800000x16xf32, #tpu.memory_space<hbm>>, %arg3: memref<32x104x4x128xi32, #tpu.memory_space<hbm>>, %arg4: memref<1703936x16xf32, #tpu.memory_space<hbm>>, %arg5: memref<104x4x128xi32, #tpu.memory_space<vmem>>, %arg6: memref<512x16xf32, #tpu.memory_space<vmem>>, %arg7: memref<512x16xf32, #tpu.memory_space<vmem>>, %arg8: memref<!tpu.dma_semaphore, #tpu.memory_space<semaphore_mem>>, %arg9: memref<!tpu.dma_semaphore, #tpu.memory_space<semaphore_mem>>) attributes {dimension_semantics = [#tpu.dimension_semantics<core_parallel>, #tpu.dimension_semantics<subcore_parallel>], iteration_bounds = array<i64: 2, 16>, scalar_prefetch = 0 : i64, scratch_operands = 5 : i64, tpu.core_type = #tpu.core_type<sc_vector_subcore>, window_params = [{transform_indices = #map}, {transform_indices = #map1}, {transform_indices = #map}]} {
    %mul3A = arith.constant 2 : i32
    %mul3A_0 = arith.muli %arg1, %mul3A : i32
    %add3A = arith.addi %mul3A_0, %arg0 : i32
    %mul3A_1 = arith.constant 53248 : i32
    %mul3A_2 = arith.muli %add3A, %mul3A_1 : i32
    "tpu.region"() ({
      %run_scoped3A = tpu.sem_alloc : memref<!tpu.dma_semaphore, #tpu.memory_space<semaphore_mem>>
      %dma_start3A_52 = arith.constant 0 : i32
      %dma_start3A_53 = arith.constant 0 : i32
      %dma_start3A_54 = arith.constant 0 : i32
      %dma_start3A_55 = tpu.memref_slice %arg3[%add3A, %dma_start3A_52, %dma_start3A_53, %dma_start3A_54] : memref<32x104x4x128xi32, #tpu.memory_space<hbm>> -> memref<1x104x4x128xi32, #tpu.memory_space<hbm>>
      %dma_start3A_56 = tpu.memref_squeeze %dma_start3A_55 : memref<1x104x4x128xi32, #tpu.memory_space<hbm>> -> memref<104x4x128xi32, #tpu.memory_space<hbm>>
      %dma_start3A_57 = arith.constant 0 : i32
      %dma_start3A_58 = arith.constant 0 : i32
      %dma_start3A_59 = arith.constant 0 : i32
      %dma_start3A_60 = tpu.memref_slice %arg3[%add3A, %dma_start3A_57, %dma_start3A_58, %dma_start3A_59] : memref<32x104x4x128xi32, #tpu.memory_space<hbm>> -> memref<1x104x4x128xi32, #tpu.memory_space<hbm>>
      %dma_start3A_61 = tpu.memref_squeeze %dma_start3A_60 : memref<1x104x4x128xi32, #tpu.memory_space<hbm>> -> memref<104x4x128xi32, #tpu.memory_space<hbm>>
      tpu.enqueue_dma source(%dma_start3A_61 : memref<104x4x128xi32, #tpu.memory_space<hbm>>) target(%arg5 : memref<104x4x128xi32, #tpu.memory_space<vmem>>) target_semaphore(%run_scoped3A : memref<!tpu.dma_semaphore, #tpu.memory_space<semaphore_mem>>)
      %dma_wait3A = arith.constant 0 : i32
      %dma_wait3A_62 = arith.constant 0 : i32
      %dma_wait3A_63 = arith.constant 0 : i32
      %dma_wait3A_64 = tpu.memref_slice %arg3[%add3A, %dma_wait3A, %dma_wait3A_62, %dma_wait3A_63] : memref<32x104x4x128xi32, #tpu.memory_space<hbm>> -> memref<1x104x4x128xi32, #tpu.memory_space<hbm>>
      %dma_wait3A_65 = tpu.memref_squeeze %dma_wait3A_64 : memref<1x104x4x128xi32, #tpu.memory_space<hbm>> -> memref<104x4x128xi32, #tpu.memory_space<hbm>>
      %dma_wait3A_66 = arith.constant 0 : i32
      %dma_wait3A_67 = arith.constant 0 : i32
      %dma_wait3A_68 = arith.constant 0 : i32
      %dma_wait3A_69 = tpu.memref_slice %arg3[%add3A, %dma_wait3A_66, %dma_wait3A_67, %dma_wait3A_68] : memref<32x104x4x128xi32, #tpu.memory_space<hbm>> -> memref<1x104x4x128xi32, #tpu.memory_space<hbm>>
      %dma_wait3A_70 = tpu.memref_squeeze %dma_wait3A_69 : memref<1x104x4x128xi32, #tpu.memory_space<hbm>> -> memref<104x4x128xi32, #tpu.memory_space<hbm>>
      tpu.wait_dma2 semaphore(%run_scoped3A : memref<!tpu.dma_semaphore, #tpu.memory_space<semaphore_mem>>) src(%dma_wait3A_70 : memref<104x4x128xi32, #tpu.memory_space<hbm>>) dst(%arg5 : memref<104x4x128xi32, #tpu.memory_space<vmem>>)
      tpu.yield
    }) : () -> ()
    %dma_start3A = arith.constant 0 : i32
    %dma_start3A_3 = arith.constant 0 : i32
    %dma_start3A_4 = arith.constant 0 : i32
    %dma_start3A_5 = arith.constant 0 : i32
    %dma_start3A_6 = tpu.memref_slice %arg6[%dma_start3A_4, %dma_start3A_5] : memref<512x16xf32, #tpu.memory_space<vmem>> -> memref<128x16xf32, #tpu.memory_space<vmem>>
    %dma_start3A_7 = arith.constant 0 : i32
    %dma_start3A_8 = tpu.memref_slice %arg5[%dma_start3A, %dma_start3A_3, %dma_start3A_7] : memref<104x4x128xi32, #tpu.memory_space<vmem>> -> memref<1x1x128xi32, #tpu.memory_space<vmem>>
    %dma_start3A_9 = tpu.memref_squeeze %dma_start3A_8 : memref<1x1x128xi32, #tpu.memory_space<vmem>> -> memref<128xi32, #tpu.memory_space<vmem>>
    %dma_start3A_10 = arith.constant 0 : i32
    %dma_start3A_11 = arith.constant 0 : i32
    %dma_start3A_12 = tpu.memref_slice %arg2[%dma_start3A_10, %dma_start3A_11] : memref<20800000x16xf32, #tpu.memory_space<hbm>> -> memref<20800000x16xf32, #tpu.memory_space<hbm>>
    tpu.enqueue_indirect_dma source(%dma_start3A_12 : memref<20800000x16xf32, #tpu.memory_space<hbm>>) target(%dma_start3A_6 : memref<128x16xf32, #tpu.memory_space<vmem>>) offsets(%dma_start3A_9 : memref<128xi32, #tpu.memory_space<vmem>>) semaphore(%arg8 : memref<!tpu.dma_semaphore, #tpu.memory_space<semaphore_mem>>)
    %dma_start3A_13 = arith.constant 0 : i32
    %dma_start3A_14 = arith.constant 1 : i32
    %dma_start3A_15 = arith.constant 128 : i32
    %dma_start3A_16 = arith.constant 0 : i32
    %dma_start3A_17 = tpu.memref_slice %arg6[%dma_start3A_15, %dma_start3A_16] : memref<512x16xf32, #tpu.memory_space<vmem>> -> memref<128x16xf32, #tpu.memory_space<vmem>>
    %dma_start3A_18 = arith.constant 0 : i32
    %dma_start3A_19 = tpu.memref_slice %arg5[%dma_start3A_13, %dma_start3A_14, %dma_start3A_18] : memref<104x4x128xi32, #tpu.memory_space<vmem>> -> memref<1x1x128xi32, #tpu.memory_space<vmem>>
    %dma_start3A_20 = tpu.memref_squeeze %dma_start3A_19 : memref<1x1x128xi32, #tpu.memory_space<vmem>> -> memref<128xi32, #tpu.memory_space<vmem>>
    %dma_start3A_21 = arith.constant 0 : i32
    %dma_start3A_22 = arith.constant 0 : i32
    %dma_start3A_23 = tpu.memref_slice %arg2[%dma_start3A_21, %dma_start3A_22] : memref<20800000x16xf32, #tpu.memory_space<hbm>> -> memref<20800000x16xf32, #tpu.memory_space<hbm>>
    tpu.enqueue_indirect_dma source(%dma_start3A_23 : memref<20800000x16xf32, #tpu.memory_space<hbm>>) target(%dma_start3A_17 : memref<128x16xf32, #tpu.memory_space<vmem>>) offsets(%dma_start3A_20 : memref<128xi32, #tpu.memory_space<vmem>>) semaphore(%arg8 : memref<!tpu.dma_semaphore, #tpu.memory_space<semaphore_mem>>)
    %dma_start3A_24 = arith.constant 0 : i32
    %dma_start3A_25 = arith.constant 2 : i32
    %dma_start3A_26 = arith.constant 256 : i32
    %dma_start3A_27 = arith.constant 0 : i32
    %dma_start3A_28 = tpu.memref_slice %arg6[%dma_start3A_26, %dma_start3A_27] : memref<512x16xf32, #tpu.memory_space<vmem>> -> memref<128x16xf32, #tpu.memory_space<vmem>>
    %dma_start3A_29 = arith.constant 0 : i32
    %dma_start3A_30 = tpu.memref_slice %arg5[%dma_start3A_24, %dma_start3A_25, %dma_start3A_29] : memref<104x4x128xi32, #tpu.memory_space<vmem>> -> memref<1x1x128xi32, #tpu.memory_space<vmem>>
    %dma_start3A_31 = tpu.memref_squeeze %dma_start3A_30 : memref<1x1x128xi32, #tpu.memory_space<vmem>> -> memref<128xi32, #tpu.memory_space<vmem>>
    %dma_start3A_32 = arith.constant 0 : i32
    %dma_start3A_33 = arith.constant 0 : i32
    %dma_start3A_34 = tpu.memref_slice %arg2[%dma_start3A_32, %dma_start3A_33] : memref<20800000x16xf32, #tpu.memory_space<hbm>> -> memref<20800000x16xf32, #tpu.memory_space<hbm>>
    tpu.enqueue_indirect_dma source(%dma_start3A_34 : memref<20800000x16xf32, #tpu.memory_space<hbm>>) target(%dma_start3A_28 : memref<128x16xf32, #tpu.memory_space<vmem>>) offsets(%dma_start3A_31 : memref<128xi32, #tpu.memory_space<vmem>>) semaphore(%arg8 : memref<!tpu.dma_semaphore, #tpu.memory_space<semaphore_mem>>)
    %dma_start3A_35 = arith.constant 0 : i32
    %dma_start3A_36 = arith.constant 3 : i32
    %dma_start3A_37 = arith.constant 384 : i32
    %dma_start3A_38 = arith.constant 0 : i32
    %dma_start3A_39 = tpu.memref_slice %arg6[%dma_start3A_37, %dma_start3A_38] : memref<512x16xf32, #tpu.memory_space<vmem>> -> memref<128x16xf32, #tpu.memory_space<vmem>>
    %dma_start3A_40 = arith.constant 0 : i32
    %dma_start3A_41 = tpu.memref_slice %arg5[%dma_start3A_35, %dma_start3A_36, %dma_start3A_40] : memref<104x4x128xi32, #tpu.memory_space<vmem>> -> memref<1x1x128xi32, #tpu.memory_space<vmem>>
    %dma_start3A_42 = tpu.memref_squeeze %dma_start3A_41 : memref<1x1x128xi32, #tpu.memory_space<vmem>> -> memref<128xi32, #tpu.memory_space<vmem>>
    %dma_start3A_43 = arith.constant 0 : i32
    %dma_start3A_44 = arith.constant 0 : i32
    %dma_start3A_45 = tpu.memref_slice %arg2[%dma_start3A_43, %dma_start3A_44] : memref<20800000x16xf32, #tpu.memory_space<hbm>> -> memref<20800000x16xf32, #tpu.memory_space<hbm>>
    tpu.enqueue_indirect_dma source(%dma_start3A_45 : memref<20800000x16xf32, #tpu.memory_space<hbm>>) target(%dma_start3A_39 : memref<128x16xf32, #tpu.memory_space<vmem>>) offsets(%dma_start3A_42 : memref<128xi32, #tpu.memory_space<vmem>>) semaphore(%arg8 : memref<!tpu.dma_semaphore, #tpu.memory_space<semaphore_mem>>)
    %scan3A = arith.constant 0 : i32
    %scan3A_46 = arith.constant 0 : i32
    %scan3A_47 = arith.constant 52 : i32
    %scan3A_48 = arith.addi %scan3A_46, %scan3A_47 : i32
    %scan3A_49 = arith.constant 1 : i32
    %scan3A_50 = scf.for %scan3A_52 = %scan3A_46 to %scan3A_48 step %scan3A_49 iter_args(%scan3A_53 = %scan3A) -> (i32)  : i32 {
      %mul3A_54 = arith.constant 2 : i32
      %mul3A_55 = arith.muli %scan3A_52, %mul3A_54 : i32
      %add3A_56 = arith.constant 1 : i32
      %add3A_57 = arith.addi %mul3A_55, %add3A_56 : i32
      %add3A_58 = arith.constant 1 : i32
      %add3A_59 = arith.addi %mul3A_55, %add3A_58 : i32
      %lt3A = arith.constant 104 : i32
      %lt3A_60 = arith.cmpi slt, %add3A_59, %lt3A : i32
      %convert_element_type3A = arith.extui %lt3A_60 : i1 to i32
      %cond3A = arith.constant 0 : i32
      %cond3A_61 = arith.cmpi ne, %convert_element_type3A, %cond3A : i32
      scf.if %cond3A_61 {
        %add3A_159 = arith.constant 1 : i32
        %add3A_160 = arith.addi %mul3A_55, %add3A_159 : i32
        %dma_start3A_161 = arith.constant 0 : i32
        %dma_start3A_162 = arith.constant 0 : i32
        %dma_start3A_163 = arith.constant 0 : i32
        %dma_start3A_164 = tpu.memref_slice %arg7[%dma_start3A_162, %dma_start3A_163] : memref<512x16xf32, #tpu.memory_space<vmem>> -> memref<128x16xf32, #tpu.memory_space<vmem>>
        %dma_start3A_165 = arith.constant 0 : i32
        %dma_start3A_166 = tpu.memref_slice %arg5[%add3A_160, %dma_start3A_161, %dma_start3A_165] : memref<104x4x128xi32, #tpu.memory_space<vmem>> -> memref<1x1x128xi32, #tpu.memory_space<vmem>>
        %dma_start3A_167 = tpu.memref_squeeze %dma_start3A_166 : memref<1x1x128xi32, #tpu.memory_space<vmem>> -> memref<128xi32, #tpu.memory_space<vmem>>
        %dma_start3A_168 = arith.constant 0 : i32
        %dma_start3A_169 = arith.constant 0 : i32
        %dma_start3A_170 = tpu.memref_slice %arg2[%dma_start3A_168, %dma_start3A_169] : memref<20800000x16xf32, #tpu.memory_space<hbm>> -> memref<20800000x16xf32, #tpu.memory_space<hbm>>
        tpu.enqueue_indirect_dma source(%dma_start3A_170 : memref<20800000x16xf32, #tpu.memory_space<hbm>>) target(%dma_start3A_164 : memref<128x16xf32, #tpu.memory_space<vmem>>) offsets(%dma_start3A_167 : memref<128xi32, #tpu.memory_space<vmem>>) semaphore(%arg9 : memref<!tpu.dma_semaphore, #tpu.memory_space<semaphore_mem>>)
        %dma_start3A_171 = arith.constant 1 : i32
        %dma_start3A_172 = arith.constant 128 : i32
        %dma_start3A_173 = arith.constant 0 : i32
        %dma_start3A_174 = tpu.memref_slice %arg7[%dma_start3A_172, %dma_start3A_173] : memref<512x16xf32, #tpu.memory_space<vmem>> -> memref<128x16xf32, #tpu.memory_space<vmem>>
        %dma_start3A_175 = arith.constant 0 : i32
        %dma_start3A_176 = tpu.memref_slice %arg5[%add3A_160, %dma_start3A_171, %dma_start3A_175] : memref<104x4x128xi32, #tpu.memory_space<vmem>> -> memref<1x1x128xi32, #tpu.memory_space<vmem>>
        %dma_start3A_177 = tpu.memref_squeeze %dma_start3A_176 : memref<1x1x128xi32, #tpu.memory_space<vmem>> -> memref<128xi32, #tpu.memory_space<vmem>>
        %dma_start3A_178 = arith.constant 0 : i32
        %dma_start3A_179 = arith.constant 0 : i32
        %dma_start3A_180 = tpu.memref_slice %arg2[%dma_start3A_178, %dma_start3A_179] : memref<20800000x16xf32, #tpu.memory_space<hbm>> -> memref<20800000x16xf32, #tpu.memory_space<hbm>>
        tpu.enqueue_indirect_dma source(%dma_start3A_180 : memref<20800000x16xf32, #tpu.memory_space<hbm>>) target(%dma_start3A_174 : memref<128x16xf32, #tpu.memory_space<vmem>>) offsets(%dma_start3A_177 : memref<128xi32, #tpu.memory_space<vmem>>) semaphore(%arg9 : memref<!tpu.dma_semaphore, #tpu.memory_space<semaphore_mem>>)
        %dma_start3A_181 = arith.constant 2 : i32
        %dma_start3A_182 = arith.constant 256 : i32
        %dma_start3A_183 = arith.constant 0 : i32
        %dma_start3A_184 = tpu.memref_slice %arg7[%dma_start3A_182, %dma_start3A_183] : memref<512x16xf32, #tpu.memory_space<vmem>> -> memref<128x16xf32, #tpu.memory_space<vmem>>
        %dma_start3A_185 = arith.constant 0 : i32
        %dma_start3A_186 = tpu.memref_slice %arg5[%add3A_160, %dma_start3A_181, %dma_start3A_185] : memref<104x4x128xi32, #tpu.memory_space<vmem>> -> memref<1x1x128xi32, #tpu.memory_space<vmem>>
        %dma_start3A_187 = tpu.memref_squeeze %dma_start3A_186 : memref<1x1x128xi32, #tpu.memory_space<vmem>> -> memref<128xi32, #tpu.memory_space<vmem>>
        %dma_start3A_188 = arith.constant 0 : i32
        %dma_start3A_189 = arith.constant 0 : i32
        %dma_start3A_190 = tpu.memref_slice %arg2[%dma_start3A_188, %dma_start3A_189] : memref<20800000x16xf32, #tpu.memory_space<hbm>> -> memref<20800000x16xf32, #tpu.memory_space<hbm>>
        tpu.enqueue_indirect_dma source(%dma_start3A_190 : memref<20800000x16xf32, #tpu.memory_space<hbm>>) target(%dma_start3A_184 : memref<128x16xf32, #tpu.memory_space<vmem>>) offsets(%dma_start3A_187 : memref<128xi32, #tpu.memory_space<vmem>>) semaphore(%arg9 : memref<!tpu.dma_semaphore, #tpu.memory_space<semaphore_mem>>)
        %dma_start3A_191 = arith.constant 3 : i32
        %dma_start3A_192 = arith.constant 384 : i32
        %dma_start3A_193 = arith.constant 0 : i32
        %dma_start3A_194 = tpu.memref_slice %arg7[%dma_start3A_192, %dma_start3A_193] : memref<512x16xf32, #tpu.memory_space<vmem>> -> memref<128x16xf32, #tpu.memory_space<vmem>>
        %dma_start3A_195 = arith.constant 0 : i32
        %dma_start3A_196 = tpu.memref_slice %arg5[%add3A_160, %dma_start3A_191, %dma_start3A_195] : memref<104x4x128xi32, #tpu.memory_space<vmem>> -> memref<1x1x128xi32, #tpu.memory_space<vmem>>
        %dma_start3A_197 = tpu.memref_squeeze %dma_start3A_196 : memref<1x1x128xi32, #tpu.memory_space<vmem>> -> memref<128xi32, #tpu.memory_space<vmem>>
        %dma_start3A_198 = arith.constant 0 : i32
        %dma_start3A_199 = arith.constant 0 : i32
        %dma_start3A_200 = tpu.memref_slice %arg2[%dma_start3A_198, %dma_start3A_199] : memref<20800000x16xf32, #tpu.memory_space<hbm>> -> memref<20800000x16xf32, #tpu.memory_space<hbm>>
        tpu.enqueue_indirect_dma source(%dma_start3A_200 : memref<20800000x16xf32, #tpu.memory_space<hbm>>) target(%dma_start3A_194 : memref<128x16xf32, #tpu.memory_space<vmem>>) offsets(%dma_start3A_197 : memref<128xi32, #tpu.memory_space<vmem>>) semaphore(%arg9 : memref<!tpu.dma_semaphore, #tpu.memory_space<semaphore_mem>>)
      } else {
      }
      %dma_wait3A = arith.constant 0 : i32
      %dma_wait3A_62 = arith.constant 0 : i32
      %dma_wait3A_63 = arith.constant 0 : i32
      %dma_wait3A_64 = tpu.memref_slice %arg6[%dma_wait3A_62, %dma_wait3A_63] : memref<512x16xf32, #tpu.memory_space<vmem>> -> memref<128x16xf32, #tpu.memory_space<vmem>>
      %dma_wait3A_65 = arith.constant 0 : i32
      %dma_wait3A_66 = tpu.memref_slice %arg5[%mul3A_55, %dma_wait3A, %dma_wait3A_65] : memref<104x4x128xi32, #tpu.memory_space<vmem>> -> memref<1x1x128xi32, #tpu.memory_space<vmem>>
      %dma_wait3A_67 = tpu.memref_squeeze %dma_wait3A_66 : memref<1x1x128xi32, #tpu.memory_space<vmem>> -> memref<128xi32, #tpu.memory_space<vmem>>
      %dma_wait3A_68 = arith.constant 0 : i32
      %dma_wait3A_69 = arith.constant 0 : i32
      %dma_wait3A_70 = tpu.memref_slice %arg2[%dma_wait3A_68, %dma_wait3A_69] : memref<20800000x16xf32, #tpu.memory_space<hbm>> -> memref<20800000x16xf32, #tpu.memory_space<hbm>>
      tpu.wait_indirect_dma semaphore(%arg8 : memref<!tpu.dma_semaphore, #tpu.memory_space<semaphore_mem>>) src(%dma_wait3A_70 : memref<20800000x16xf32, #tpu.memory_space<hbm>>) dst(%dma_wait3A_64 : memref<128x16xf32, #tpu.memory_space<vmem>>)
      %dma_wait3A_71 = arith.constant 1 : i32
      %dma_wait3A_72 = arith.constant 128 : i32
      %dma_wait3A_73 = arith.constant 0 : i32
      %dma_wait3A_74 = tpu.memref_slice %arg6[%dma_wait3A_72, %dma_wait3A_73] : memref<512x16xf32, #tpu.memory_space<vmem>> -> memref<128x16xf32, #tpu.memory_space<vmem>>
      %dma_wait3A_75 = arith.constant 0 : i32
      %dma_wait3A_76 = tpu.memref_slice %arg5[%mul3A_55, %dma_wait3A_71, %dma_wait3A_75] : memref<104x4x128xi32, #tpu.memory_space<vmem>> -> memref<1x1x128xi32, #tpu.memory_space<vmem>>
      %dma_wait3A_77 = tpu.memref_squeeze %dma_wait3A_76 : memref<1x1x128xi32, #tpu.memory_space<vmem>> -> memref<128xi32, #tpu.memory_space<vmem>>
      %dma_wait3A_78 = arith.constant 0 : i32
      %dma_wait3A_79 = arith.constant 0 : i32
      %dma_wait3A_80 = tpu.memref_slice %arg2[%dma_wait3A_78, %dma_wait3A_79] : memref<20800000x16xf32, #tpu.memory_space<hbm>> -> memref<20800000x16xf32, #tpu.memory_space<hbm>>
      tpu.wait_indirect_dma semaphore(%arg8 : memref<!tpu.dma_semaphore, #tpu.memory_space<semaphore_mem>>) src(%dma_wait3A_80 : memref<20800000x16xf32, #tpu.memory_space<hbm>>) dst(%dma_wait3A_74 : memref<128x16xf32, #tpu.memory_space<vmem>>)
      %dma_wait3A_81 = arith.constant 2 : i32
      %dma_wait3A_82 = arith.constant 256 : i32
      %dma_wait3A_83 = arith.constant 0 : i32
      %dma_wait3A_84 = tpu.memref_slice %arg6[%dma_wait3A_82, %dma_wait3A_83] : memref<512x16xf32, #tpu.memory_space<vmem>> -> memref<128x16xf32, #tpu.memory_space<vmem>>
      %dma_wait3A_85 = arith.constant 0 : i32
      %dma_wait3A_86 = tpu.memref_slice %arg5[%mul3A_55, %dma_wait3A_81, %dma_wait3A_85] : memref<104x4x128xi32, #tpu.memory_space<vmem>> -> memref<1x1x128xi32, #tpu.memory_space<vmem>>
      %dma_wait3A_87 = tpu.memref_squeeze %dma_wait3A_86 : memref<1x1x128xi32, #tpu.memory_space<vmem>> -> memref<128xi32, #tpu.memory_space<vmem>>
      %dma_wait3A_88 = arith.constant 0 : i32
      %dma_wait3A_89 = arith.constant 0 : i32
      %dma_wait3A_90 = tpu.memref_slice %arg2[%dma_wait3A_88, %dma_wait3A_89] : memref<20800000x16xf32, #tpu.memory_space<hbm>> -> memref<20800000x16xf32, #tpu.memory_space<hbm>>
      tpu.wait_indirect_dma semaphore(%arg8 : memref<!tpu.dma_semaphore, #tpu.memory_space<semaphore_mem>>) src(%dma_wait3A_90 : memref<20800000x16xf32, #tpu.memory_space<hbm>>) dst(%dma_wait3A_84 : memref<128x16xf32, #tpu.memory_space<vmem>>)
      %dma_wait3A_91 = arith.constant 3 : i32
      %dma_wait3A_92 = arith.constant 384 : i32
      %dma_wait3A_93 = arith.constant 0 : i32
      %dma_wait3A_94 = tpu.memref_slice %arg6[%dma_wait3A_92, %dma_wait3A_93] : memref<512x16xf32, #tpu.memory_space<vmem>> -> memref<128x16xf32, #tpu.memory_space<vmem>>
      %dma_wait3A_95 = arith.constant 0 : i32
      %dma_wait3A_96 = tpu.memref_slice %arg5[%mul3A_55, %dma_wait3A_91, %dma_wait3A_95] : memref<104x4x128xi32, #tpu.memory_space<vmem>> -> memref<1x1x128xi32, #tpu.memory_space<vmem>>
      %dma_wait3A_97 = tpu.memref_squeeze %dma_wait3A_96 : memref<1x1x128xi32, #tpu.memory_space<vmem>> -> memref<128xi32, #tpu.memory_space<vmem>>
      %dma_wait3A_98 = arith.constant 0 : i32
      %dma_wait3A_99 = arith.constant 0 : i32
      %dma_wait3A_100 = tpu.memref_slice %arg2[%dma_wait3A_98, %dma_wait3A_99] : memref<20800000x16xf32, #tpu.memory_space<hbm>> -> memref<20800000x16xf32, #tpu.memory_space<hbm>>
      tpu.wait_indirect_dma semaphore(%arg8 : memref<!tpu.dma_semaphore, #tpu.memory_space<semaphore_mem>>) src(%dma_wait3A_100 : memref<20800000x16xf32, #tpu.memory_space<hbm>>) dst(%dma_wait3A_94 : memref<128x16xf32, #tpu.memory_space<vmem>>)
      %mul3A_101 = arith.constant 128 : i32
      %mul3A_102 = arith.muli %mul3A_55, %mul3A_101 : i32
      %mul3A_103 = arith.constant 4 : i32
      %mul3A_104 = arith.muli %mul3A_102, %mul3A_103 : i32
      %add3A_105 = arith.addi %mul3A_2, %mul3A_104 : i32
      "tpu.region"() ({
        %run_scoped3A = tpu.sem_alloc : memref<!tpu.dma_semaphore, #tpu.memory_space<semaphore_mem>>
        %dma_start3A_159 = arith.constant 0 : i32
        %dma_start3A_160 = tpu.memref_slice %arg4[%add3A_105, %dma_start3A_159] : memref<1703936x16xf32, #tpu.memory_space<hbm>> -> memref<512x16xf32, #tpu.memory_space<hbm>>
        %dma_start3A_161 = arith.constant 0 : i32
        %dma_start3A_162 = tpu.memref_slice %arg4[%add3A_105, %dma_start3A_161] : memref<1703936x16xf32, #tpu.memory_space<hbm>> -> memref<512x16xf32, #tpu.memory_space<hbm>>
        tpu.enqueue_dma source(%arg6 : memref<512x16xf32, #tpu.memory_space<vmem>>) target(%dma_start3A_162 : memref<512x16xf32, #tpu.memory_space<hbm>>) target_semaphore(%run_scoped3A : memref<!tpu.dma_semaphore, #tpu.memory_space<semaphore_mem>>)
        %dma_wait3A_163 = arith.constant 0 : i32
        %dma_wait3A_164 = tpu.memref_slice %arg4[%add3A_105, %dma_wait3A_163] : memref<1703936x16xf32, #tpu.memory_space<hbm>> -> memref<512x16xf32, #tpu.memory_space<hbm>>
        %dma_wait3A_165 = arith.constant 0 : i32
        %dma_wait3A_166 = tpu.memref_slice %arg4[%add3A_105, %dma_wait3A_165] : memref<1703936x16xf32, #tpu.memory_space<hbm>> -> memref<512x16xf32, #tpu.memory_space<hbm>>
        tpu.wait_dma2 semaphore(%run_scoped3A : memref<!tpu.dma_semaphore, #tpu.memory_space<semaphore_mem>>) src(%arg6 : memref<512x16xf32, #tpu.memory_space<vmem>>) dst(%dma_wait3A_166 : memref<512x16xf32, #tpu.memory_space<hbm>>)
        tpu.yield
      }) : () -> ()
      %add3A_106 = arith.constant 1 : i32
      %add3A_107 = arith.addi %add3A_57, %add3A_106 : i32
      %lt3A_108 = arith.constant 104 : i32
      %lt3A_109 = arith.cmpi slt, %add3A_107, %lt3A_108 : i32
      %convert_element_type3A_110 = arith.extui %lt3A_109 : i1 to i32
      %cond3A_111 = arith.constant 0 : i32
      %cond3A_112 = arith.cmpi ne, %convert_element_type3A_110, %cond3A_111 : i32
      scf.if %cond3A_112 {
        %add3A_159 = arith.constant 1 : i32
        %add3A_160 = arith.addi %add3A_57, %add3A_159 : i32
        %dma_start3A_161 = arith.constant 0 : i32
        %dma_start3A_162 = arith.constant 0 : i32
        %dma_start3A_163 = arith.constant 0 : i32
        %dma_start3A_164 = tpu.memref_slice %arg6[%dma_start3A_162, %dma_start3A_163] : memref<512x16xf32, #tpu.memory_space<vmem>> -> memref<128x16xf32, #tpu.memory_space<vmem>>
        %dma_start3A_165 = arith.constant 0 : i32
        %dma_start3A_166 = tpu.memref_slice %arg5[%add3A_160, %dma_start3A_161, %dma_start3A_165] : memref<104x4x128xi32, #tpu.memory_space<vmem>> -> memref<1x1x128xi32, #tpu.memory_space<vmem>>
        %dma_start3A_167 = tpu.memref_squeeze %dma_start3A_166 : memref<1x1x128xi32, #tpu.memory_space<vmem>> -> memref<128xi32, #tpu.memory_space<vmem>>
        %dma_start3A_168 = arith.constant 0 : i32
        %dma_start3A_169 = arith.constant 0 : i32
        %dma_start3A_170 = tpu.memref_slice %arg2[%dma_start3A_168, %dma_start3A_169] : memref<20800000x16xf32, #tpu.memory_space<hbm>> -> memref<20800000x16xf32, #tpu.memory_space<hbm>>
        tpu.enqueue_indirect_dma source(%dma_start3A_170 : memref<20800000x16xf32, #tpu.memory_space<hbm>>) target(%dma_start3A_164 : memref<128x16xf32, #tpu.memory_space<vmem>>) offsets(%dma_start3A_167 : memref<128xi32, #tpu.memory_space<vmem>>) semaphore(%arg8 : memref<!tpu.dma_semaphore, #tpu.memory_space<semaphore_mem>>)
        %dma_start3A_171 = arith.constant 1 : i32
        %dma_start3A_172 = arith.constant 128 : i32
        %dma_start3A_173 = arith.constant 0 : i32
        %dma_start3A_174 = tpu.memref_slice %arg6[%dma_start3A_172, %dma_start3A_173] : memref<512x16xf32, #tpu.memory_space<vmem>> -> memref<128x16xf32, #tpu.memory_space<vmem>>
        %dma_start3A_175 = arith.constant 0 : i32
        %dma_start3A_176 = tpu.memref_slice %arg5[%add3A_160, %dma_start3A_171, %dma_start3A_175] : memref<104x4x128xi32, #tpu.memory_space<vmem>> -> memref<1x1x128xi32, #tpu.memory_space<vmem>>
        %dma_start3A_177 = tpu.memref_squeeze %dma_start3A_176 : memref<1x1x128xi32, #tpu.memory_space<vmem>> -> memref<128xi32, #tpu.memory_space<vmem>>
        %dma_start3A_178 = arith.constant 0 : i32
        %dma_start3A_179 = arith.constant 0 : i32
        %dma_start3A_180 = tpu.memref_slice %arg2[%dma_start3A_178, %dma_start3A_179] : memref<20800000x16xf32, #tpu.memory_space<hbm>> -> memref<20800000x16xf32, #tpu.memory_space<hbm>>
        tpu.enqueue_indirect_dma source(%dma_start3A_180 : memref<20800000x16xf32, #tpu.memory_space<hbm>>) target(%dma_start3A_174 : memref<128x16xf32, #tpu.memory_space<vmem>>) offsets(%dma_start3A_177 : memref<128xi32, #tpu.memory_space<vmem>>) semaphore(%arg8 : memref<!tpu.dma_semaphore, #tpu.memory_space<semaphore_mem>>)
        %dma_start3A_181 = arith.constant 2 : i32
        %dma_start3A_182 = arith.constant 256 : i32
        %dma_start3A_183 = arith.constant 0 : i32
        %dma_start3A_184 = tpu.memref_slice %arg6[%dma_start3A_182, %dma_start3A_183] : memref<512x16xf32, #tpu.memory_space<vmem>> -> memref<128x16xf32, #tpu.memory_space<vmem>>
        %dma_start3A_185 = arith.constant 0 : i32
        %dma_start3A_186 = tpu.memref_slice %arg5[%add3A_160, %dma_start3A_181, %dma_start3A_185] : memref<104x4x128xi32, #tpu.memory_space<vmem>> -> memref<1x1x128xi32, #tpu.memory_space<vmem>>
        %dma_start3A_187 = tpu.memref_squeeze %dma_start3A_186 : memref<1x1x128xi32, #tpu.memory_space<vmem>> -> memref<128xi32, #tpu.memory_space<vmem>>
        %dma_start3A_188 = arith.constant 0 : i32
        %dma_start3A_189 = arith.constant 0 : i32
        %dma_start3A_190 = tpu.memref_slice %arg2[%dma_start3A_188, %dma_start3A_189] : memref<20800000x16xf32, #tpu.memory_space<hbm>> -> memref<20800000x16xf32, #tpu.memory_space<hbm>>
        tpu.enqueue_indirect_dma source(%dma_start3A_190 : memref<20800000x16xf32, #tpu.memory_space<hbm>>) target(%dma_start3A_184 : memref<128x16xf32, #tpu.memory_space<vmem>>) offsets(%dma_start3A_187 : memref<128xi32, #tpu.memory_space<vmem>>) semaphore(%arg8 : memref<!tpu.dma_semaphore, #tpu.memory_space<semaphore_mem>>)
        %dma_start3A_191 = arith.constant 3 : i32
        %dma_start3A_192 = arith.constant 384 : i32
        %dma_start3A_193 = arith.constant 0 : i32
        %dma_start3A_194 = tpu.memref_slice %arg6[%dma_start3A_192, %dma_start3A_193] : memref<512x16xf32, #tpu.memory_space<vmem>> -> memref<128x16xf32, #tpu.memory_space<vmem>>
        %dma_start3A_195 = arith.constant 0 : i32
        %dma_start3A_196 = tpu.memref_slice %arg5[%add3A_160, %dma_start3A_191, %dma_start3A_195] : memref<104x4x128xi32, #tpu.memory_space<vmem>> -> memref<1x1x128xi32, #tpu.memory_space<vmem>>
        %dma_start3A_197 = tpu.memref_squeeze %dma_start3A_196 : memref<1x1x128xi32, #tpu.memory_space<vmem>> -> memref<128xi32, #tpu.memory_space<vmem>>
        %dma_start3A_198 = arith.constant 0 : i32
        %dma_start3A_199 = arith.constant 0 : i32
        %dma_start3A_200 = tpu.memref_slice %arg2[%dma_start3A_198, %dma_start3A_199] : memref<20800000x16xf32, #tpu.memory_space<hbm>> -> memref<20800000x16xf32, #tpu.memory_space<hbm>>
        tpu.enqueue_indirect_dma source(%dma_start3A_200 : memref<20800000x16xf32, #tpu.memory_space<hbm>>) target(%dma_start3A_194 : memref<128x16xf32, #tpu.memory_space<vmem>>) offsets(%dma_start3A_197 : memref<128xi32, #tpu.memory_space<vmem>>) semaphore(%arg8 : memref<!tpu.dma_semaphore, #tpu.memory_space<semaphore_mem>>)
      } else {
      }
      %dma_wait3A_113 = arith.constant 0 : i32
      %dma_wait3A_114 = arith.constant 0 : i32
      %dma_wait3A_115 = arith.constant 0 : i32
      %dma_wait3A_116 = tpu.memref_slice %arg7[%dma_wait3A_114, %dma_wait3A_115] : memref<512x16xf32, #tpu.memory_space<vmem>> -> memref<128x16xf32, #tpu.memory_space<vmem>>
      %dma_wait3A_117 = arith.constant 0 : i32
      %dma_wait3A_118 = tpu.memref_slice %arg5[%add3A_57, %dma_wait3A_113, %dma_wait3A_117] : memref<104x4x128xi32, #tpu.memory_space<vmem>> -> memref<1x1x128xi32, #tpu.memory_space<vmem>>
      %dma_wait3A_119 = tpu.memref_squeeze %dma_wait3A_118 : memref<1x1x128xi32, #tpu.memory_space<vmem>> -> memref<128xi32, #tpu.memory_space<vmem>>
      %dma_wait3A_120 = arith.constant 0 : i32
      %dma_wait3A_121 = arith.constant 0 : i32
      %dma_wait3A_122 = tpu.memref_slice %arg2[%dma_wait3A_120, %dma_wait3A_121] : memref<20800000x16xf32, #tpu.memory_space<hbm>> -> memref<20800000x16xf32, #tpu.memory_space<hbm>>
      tpu.wait_indirect_dma semaphore(%arg9 : memref<!tpu.dma_semaphore, #tpu.memory_space<semaphore_mem>>) src(%dma_wait3A_122 : memref<20800000x16xf32, #tpu.memory_space<hbm>>) dst(%dma_wait3A_116 : memref<128x16xf32, #tpu.memory_space<vmem>>)
      %dma_wait3A_123 = arith.constant 1 : i32
      %dma_wait3A_124 = arith.constant 128 : i32
      %dma_wait3A_125 = arith.constant 0 : i32
      %dma_wait3A_126 = tpu.memref_slice %arg7[%dma_wait3A_124, %dma_wait3A_125] : memref<512x16xf32, #tpu.memory_space<vmem>> -> memref<128x16xf32, #tpu.memory_space<vmem>>
      %dma_wait3A_127 = arith.constant 0 : i32
      %dma_wait3A_128 = tpu.memref_slice %arg5[%add3A_57, %dma_wait3A_123, %dma_wait3A_127] : memref<104x4x128xi32, #tpu.memory_space<vmem>> -> memref<1x1x128xi32, #tpu.memory_space<vmem>>
      %dma_wait3A_129 = tpu.memref_squeeze %dma_wait3A_128 : memref<1x1x128xi32, #tpu.memory_space<vmem>> -> memref<128xi32, #tpu.memory_space<vmem>>
      %dma_wait3A_130 = arith.constant 0 : i32
      %dma_wait3A_131 = arith.constant 0 : i32
      %dma_wait3A_132 = tpu.memref_slice %arg2[%dma_wait3A_130, %dma_wait3A_131] : memref<20800000x16xf32, #tpu.memory_space<hbm>> -> memref<20800000x16xf32, #tpu.memory_space<hbm>>
      tpu.wait_indirect_dma semaphore(%arg9 : memref<!tpu.dma_semaphore, #tpu.memory_space<semaphore_mem>>) src(%dma_wait3A_132 : memref<20800000x16xf32, #tpu.memory_space<hbm>>) dst(%dma_wait3A_126 : memref<128x16xf32, #tpu.memory_space<vmem>>)
      %dma_wait3A_133 = arith.constant 2 : i32
      %dma_wait3A_134 = arith.constant 256 : i32
      %dma_wait3A_135 = arith.constant 0 : i32
      %dma_wait3A_136 = tpu.memref_slice %arg7[%dma_wait3A_134, %dma_wait3A_135] : memref<512x16xf32, #tpu.memory_space<vmem>> -> memref<128x16xf32, #tpu.memory_space<vmem>>
      %dma_wait3A_137 = arith.constant 0 : i32
      %dma_wait3A_138 = tpu.memref_slice %arg5[%add3A_57, %dma_wait3A_133, %dma_wait3A_137] : memref<104x4x128xi32, #tpu.memory_space<vmem>> -> memref<1x1x128xi32, #tpu.memory_space<vmem>>
      %dma_wait3A_139 = tpu.memref_squeeze %dma_wait3A_138 : memref<1x1x128xi32, #tpu.memory_space<vmem>> -> memref<128xi32, #tpu.memory_space<vmem>>
      %dma_wait3A_140 = arith.constant 0 : i32
      %dma_wait3A_141 = arith.constant 0 : i32
      %dma_wait3A_142 = tpu.memref_slice %arg2[%dma_wait3A_140, %dma_wait3A_141] : memref<20800000x16xf32, #tpu.memory_space<hbm>> -> memref<20800000x16xf32, #tpu.memory_space<hbm>>
      tpu.wait_indirect_dma semaphore(%arg9 : memref<!tpu.dma_semaphore, #tpu.memory_space<semaphore_mem>>) src(%dma_wait3A_142 : memref<20800000x16xf32, #tpu.memory_space<hbm>>) dst(%dma_wait3A_136 : memref<128x16xf32, #tpu.memory_space<vmem>>)
      %dma_wait3A_143 = arith.constant 3 : i32
      %dma_wait3A_144 = arith.constant 384 : i32
      %dma_wait3A_145 = arith.constant 0 : i32
      %dma_wait3A_146 = tpu.memref_slice %arg7[%dma_wait3A_144, %dma_wait3A_145] : memref<512x16xf32, #tpu.memory_space<vmem>> -> memref<128x16xf32, #tpu.memory_space<vmem>>
      %dma_wait3A_147 = arith.constant 0 : i32
      %dma_wait3A_148 = tpu.memref_slice %arg5[%add3A_57, %dma_wait3A_143, %dma_wait3A_147] : memref<104x4x128xi32, #tpu.memory_space<vmem>> -> memref<1x1x128xi32, #tpu.memory_space<vmem>>
      %dma_wait3A_149 = tpu.memref_squeeze %dma_wait3A_148 : memref<1x1x128xi32, #tpu.memory_space<vmem>> -> memref<128xi32, #tpu.memory_space<vmem>>
      %dma_wait3A_150 = arith.constant 0 : i32
      %dma_wait3A_151 = arith.constant 0 : i32
      %dma_wait3A_152 = tpu.memref_slice %arg2[%dma_wait3A_150, %dma_wait3A_151] : memref<20800000x16xf32, #tpu.memory_space<hbm>> -> memref<20800000x16xf32, #tpu.memory_space<hbm>>
      tpu.wait_indirect_dma semaphore(%arg9 : memref<!tpu.dma_semaphore, #tpu.memory_space<semaphore_mem>>) src(%dma_wait3A_152 : memref<20800000x16xf32, #tpu.memory_space<hbm>>) dst(%dma_wait3A_146 : memref<128x16xf32, #tpu.memory_space<vmem>>)
      %mul3A_153 = arith.constant 128 : i32
      %mul3A_154 = arith.muli %add3A_57, %mul3A_153 : i32
      %mul3A_155 = arith.constant 4 : i32
      %mul3A_156 = arith.muli %mul3A_154, %mul3A_155 : i32
      %add3A_157 = arith.addi %mul3A_2, %mul3A_156 : i32
      "tpu.region"() ({
        %run_scoped3A = tpu.sem_alloc : memref<!tpu.dma_semaphore, #tpu.memory_space<semaphore_mem>>
        %dma_start3A_159 = arith.constant 0 : i32
        %dma_start3A_160 = tpu.memref_slice %arg4[%add3A_157, %dma_start3A_159] : memref<1703936x16xf32, #tpu.memory_space<hbm>> -> memref<512x16xf32, #tpu.memory_space<hbm>>
        %dma_start3A_161 = arith.constant 0 : i32
        %dma_start3A_162 = tpu.memref_slice %arg4[%add3A_157, %dma_start3A_161] : memref<1703936x16xf32, #tpu.memory_space<hbm>> -> memref<512x16xf32, #tpu.memory_space<hbm>>
        tpu.enqueue_dma source(%arg7 : memref<512x16xf32, #tpu.memory_space<vmem>>) target(%dma_start3A_162 : memref<512x16xf32, #tpu.memory_space<hbm>>) target_semaphore(%run_scoped3A : memref<!tpu.dma_semaphore, #tpu.memory_space<semaphore_mem>>)
        %dma_wait3A_163 = arith.constant 0 : i32
        %dma_wait3A_164 = tpu.memref_slice %arg4[%add3A_157, %dma_wait3A_163] : memref<1703936x16xf32, #tpu.memory_space<hbm>> -> memref<512x16xf32, #tpu.memory_space<hbm>>
        %dma_wait3A_165 = arith.constant 0 : i32
        %dma_wait3A_166 = tpu.memref_slice %arg4[%add3A_157, %dma_wait3A_165] : memref<1703936x16xf32, #tpu.memory_space<hbm>> -> memref<512x16xf32, #tpu.memory_space<hbm>>
        tpu.wait_dma2 semaphore(%run_scoped3A : memref<!tpu.dma_semaphore, #tpu.memory_space<semaphore_mem>>) src(%arg7 : memref<512x16xf32, #tpu.memory_space<vmem>>) dst(%dma_wait3A_166 : memref<512x16xf32, #tpu.memory_space<hbm>>)
        tpu.yield
      }) : () -> ()
      %scan3A_158 = arith.constant 0 : i32
      scf.yield %scan3A_158 : i32
    }
    %scan3A_51 = arith.constant 52 : i32
    return
  }
}

</mosaic_0001>

<sc_bundles>
// kernel: _sc_gather.3.cloned.1.call-start
scs
__scs_entry_jumppad:
0x0: {  	(pc) =	sbr.rel $0x88, $3  }
0x1: {  	(tag) =	ssettag $0x0;
	lr =	simm.s32 $0x1  }
0x2: {  	[smem:$0x3F9F] =	sst lr;
	_ =	strace $0xD0000000  }
0x3: {  	_ = 	snop  }
0x4: {  	_ = 	snop  }
0x5: {  	_ = 	snop  }
0x6: {  	_ = 	snop  }
0x7: {  	_ = 	snop  }
__scs_overlays_trampoline_lowered:
0x8: {  	[smem:$0x3FAE] =	sst s0  }
0x9: {  	[smem:$0x3FAF] =	sst s1  }
0xa: {  	[smem:$0x3FB0] =	sst s2  }
0xb: {  	[smem:$0x3FB1] =	sst s3  }
0xc: {  	[smem:$0x3FB2] =	sst s4  }
0xd: {  	[smem:$0x3FB3] =	sst s5  }
0xe: {  	[smem:$0x3FB4] =	sst s6  }
0xf: {  	[smem:$0x3FB5] =	sst s7  }
0x10: {  	[smem:$0x3FB6] =	sst s8  }
0x11: {  	[smem:$0x3FB7] =	sst s9;
	s0 =	simm.s32 @!p0 $0x0  }
0x12: {  	s1 =	sld [smem:$0x3F9D];
	s0 =	simm.s32 @p0 $0x1  }
0x13: {  	[smem:$0x3FB8] =	sst s0;
	s0 =	simm.s32 @!p1 $0x0  }
0x14: {  	s2 =	sld [smem:$0x3F9C];
	s0 =	simm.s32 @p1 $0x1  }
0x15: {  	[smem:$0x3FB9] =	sst s0;
	s0 =	simm.s32 @!p2 $0x0  }
0x16: {  	s3 =	sld [smem:$0x3FDB];
	s0 =	simm.s32 @p2 $0x1  }
0x17: {  	s4 =	simm.s32 $0x1BF5;
	[smem:$0x3FBB] =	sst s0  }
0x18: {  	s0 =	sld [smem:$0x3F9E];
	_ =	swait.ge [sflag:s4], $0x0  }
0x19: {  	s7 =	sld [smem:$0x3F9F]  }
0x1a: {  	s8 =	sadd.s32 $0xFFFFE003, lr  }
0x1b: {  	s9 =	sadd.s32 $0xFFFFFEF7, lr;
	s5 =	simm.s32 $0xFFFFFFFF;
	p2 =	slt.u32 s8, $0xFFFFF086  }
0x1c: {  	p1 =	slt.u32 s9, $0xF7A;
	s5 =	simm.s32 @!p2 $0x0  }
0x1d: {  	s5 =	simm.s32 @p1 $0x1;
	p0 =	seq.s32 s7, s2  }
0x1e: {  	s7 =	smul.u32 @!p0 $0xF7A, s2;
	p2 =	seq.s32 @!p0 s5, $0x0  }
0x1f: {  	s9 =	smul.u32 $0xF7A, s1;
	s8 =	simm.s32 @!p0 $0x1BF5;
	p2 =	por !p2, p0  }
0x20: {  	[sflag:s8] =	ssyncset.s32 @!p0 $0xFFFFF086;
	s6 =	sadd.s32 @!p0 s3, s7;
	s7 =	simm.s32 @!p0 $0x108  }
0x21: {  	s3 =	sadd.s32 s3, s9;
	s6 =	sadd.s32 @!p0 $0x88, s6;
	s7 =	simm.s32 @p2 $0x1082  }
0x22: {  	[simem:s7], [sflag:s8] =	dma.local @!p0 [hbm:s6], $0xF7A  }
0x23: {  	s9 =	sor.u32 $0xD0000000, s2;
	s6 =	simm.s32 $0x108;
	_ =	swait.ge @!p0 [sflag:s8], $0x0  }
0x24: {  	s3 =	sadd.s32 $0x88, s3;
	s6 =	simm.s32 @!p1 $0x1082;
	[sflag:s4] =	ssyncset.s32 $0xFFFFF086  }
0x25: {  	[simem:s6], [sflag:s4] =	dma.local [hbm:s3], $0xF7A  }
0x26: {  	[smem:$0x3F9F] =	sst s1;
	(tag) =	ssettag s2;
	_ =	strace s9  }
0x27: {  	s1 =	sld [smem:$0x3FAF]  }
0x28: {  	s2 =	sld [smem:$0x3FB0]  }
0x29: {  	s4 =	sld [smem:$0x3FB2]  }
0x2a: {  	p0 =	seq.s32 s5, $0x0;
	s5 =	sld [smem:$0x3FB3]  }
0x2b: {  	s6 =	sld [smem:$0x3FB4]  }
0x2c: {  	s7 =	sld [smem:$0x3FB5]  }
0x2d: {  	s3 =	simm.s32 $0x108;
	s8 =	sld [smem:$0x3FB6]  }
0x2e: {  	s3 =	simm.s32 @!p0 $0x1082;
	s9 =	sld [smem:$0x3FB7]  }
0x2f: {  	lr =	sadd.s32 s0, s3;
	s0 =	sld [smem:$0x3FAE]  }
0x30: {  	s3 =	sld [smem:$0x3FB1]  }
0x31: {  	[smem:$0x3FBA] =	sst s10  }
0x32: {  	s10 =	sld [smem:$0x3FB8];
	_ =	sdelay $0x3  }
0x33: {  	p0 =	seq.s32 s10, $0x1;
	s10 =	sld [smem:$0x3FBA];
	_ =	sdelay $0x3  }
0x34: {  	[smem:$0x3FBA] =	sst s10  }
0x35: {  	s10 =	sld [smem:$0x3FB9];
	_ =	sdelay $0x3  }
0x36: {  	p1 =	seq.s32 s10, $0x1;
	s10 =	sld [smem:$0x3FBA];
	_ =	sdelay $0x3  }
0x37: {  	[smem:$0x3FBA] =	sst s10  }
0x38: {  	s10 =	sld [smem:$0x3FBB]  }
0x39: {  	_ = 	snop;
	(pc) =	sbr.ind lr, $3  }
0x3a: {  	_ = 	snop  }
0x3b: {  	_ = 	snop  }
0x3c: {  	p2 =	seq.s32 s10, $0x1;
	s10 =	sld [smem:$0x3FBA]  }
0x3d: {  	_ =	shalt  }
0x3e: {  	_ =	shalt  }
0x3f: {  	_ =	shalt  }
0x40: {  	_ =	shalt  }
0x41: {  	_ =	shalt  }
0x42: {  	_ =	shalt  }
0x43: {  	_ =	shalt  }
0x44: {  	_ =	shalt  }
0x45: {  	_ =	shalt  }
0x46: {  	_ =	shalt  }
0x47: {  	_ =	shalt  }
0x48: {  	_ =	shalt  }
0x49: {  	_ =	shalt  }
0x4a: {  	_ =	shalt  }
0x4b: {  	_ =	shalt  }
0x4c: {  	_ =	shalt  }
0x4d: {  	_ =	shalt  }
0x4e: {  	_ =	shalt  }
0x4f: {  	_ =	shalt  }
0x50: {  	_ =	shalt  }
0x51: {  	_ =	shalt  }
0x52: {  	_ =	shalt  }
0x53: {  	_ =	shalt  }
0x54: {  	_ =	shalt  }
0x55: {  	_ =	shalt  }
0x56: {  	_ =	shalt  }
0x57: {  	_ =	shalt  }
0x58: {  	_ =	shalt  }
0x59: {  	_ =	shalt  }
0x5a: {  	_ =	shalt  }
0x5b: {  	_ =	shalt  }
0x5c: {  	_ =	shalt  }
0x5d: {  	_ =	shalt  }
0x5e: {  	_ =	shalt  }
0x5f: {  	_ =	shalt  }
0x60: {  	_ =	shalt  }
0x61: {  	_ =	shalt  }
0x62: {  	_ =	shalt  }
0x63: {  	_ =	shalt  }
0x64: {  	_ =	shalt  }
0x65: {  	_ =	shalt  }
0x66: {  	_ =	shalt  }
0x67: {  	_ =	shalt  }
0x68: {  	_ =	shalt  }
0x69: {  	_ =	shalt  }
0x6a: {  	_ =	shalt  }
0x6b: {  	_ =	shalt  }
0x6c: {  	_ =	shalt  }
0x6d: {  	_ =	shalt  }
0x6e: {  	_ =	shalt  }
0x6f: {  	_ =	shalt  }
0x70: {  	_ =	shalt  }
0x71: {  	_ =	shalt  }
0x72: {  	_ =	shalt  }
0x73: {  	_ =	shalt  }
0x74: {  	_ =	shalt  }
0x75: {  	_ =	shalt  }
0x76: {  	_ =	shalt  }
0x77: {  	_ =	shalt  }
0x78: {  	_ =	shalt  }
0x79: {  	_ =	shalt  }
0x7a: {  	_ =	shalt  }
0x7b: {  	_ =	shalt  }
0x7c: {  	_ =	shalt  }
0x7d: {  	_ =	shalt  }
0x7e: {  	_ =	shalt  }
0x7f: {  	_ =	shalt  }
0x80: {  	_ =	shalt  }
0x81: {  	_ =	shalt  }
0x82: {  	_ =	shalt  }
0x83: {  	_ =	shalt  }
0x84: {  	_ =	shalt  }
0x85: {  	_ =	shalt  }
0x86: {  	_ =	shalt  }
0x87: {  	_ =	shalt  }
.Lfunc_end0:
.L_simem_size_0:
called_computation.1_lowered:
.L_overlay_start_0:
0x88: {  	s2 =	sld [smem:$0x3FD9]  }
0x89: {  	s3 =	sld [smem:$0x3FFE];
	_ =	sdelay $0x1  }
0x8a: {  	s1 =	srdreg.scid  }
0x8b: {  	s0 =	sand.u32 $0x1, s1  }
0x8c: {  	s17 =	sshll.u32 s0, $0xA;
	s2 =	sadd.s32 s3, s2  }
0x8d: {  	s2 =	sadd.s32 s2, s17  }
0x8e: {  	[smem:$0x3FC6] =	sst s2  }
0x8f: {  	_ = 	snop  }
0x90: {  	s2 =	sld [smem:$0x3FC8]  }
0x91: {  	s18 =	sld [smem:$0x3FD0];
	(tm) =	ssettm $0x1  }
0x92: {  	s4 =	sld [smem:$0x3FFB];
	_ =	sdelay $0x3  }
0x93: {  	_ =	strace s4  }
0x94: {  	s4 =	sld [smem:$0x3FFC];
	_ =	sdelay $0x3  }
0x95: {  	_ =	strace s4  }
0x96: {  	s4 =	sld [smem:$0x3FFD];
	_ =	sdelay $0x3  }
0x97: {  	_ =	strace s4  }
0x98: {  	_ =	strace $0x8FFFFFFF  }
0x99: {  	s19 =	sld [smem:$0x3FDB];
	_ =	sdelay $0x1  }
0x9a: {  	s5 =	simm.s32 $_scs_section_size  }
0x9b: {  	s6 =	simm.s32 $_size__tile_overlayer_lowered;
	s7 =	simm.s32 $_tile_overlayer_lowered  }
0x9c: {  	s22 =	simm.s32 $0x1BFF;
	s21 =	sshll.u32 s7, $0x1;
	s4 =	sadd.s32 s5, s19  }
0x9d: {  	s8 =	simm.s32 $0x0;
	s20 =	sshll.u32 s6, $0x1;
	s6 =	sadd.s32 s21, s4  }
0x9e: {  	[timem:s8], [sflag:s22] =	dma.local [hbm:s6], s20  }
0x9f: {  	_ =	swait.ge [sflag:s22], s20  }
0xa0: {  	s5 =	ssub.s32 $0x0, s20;
	[sflag:s22] =	ssyncset.done $0x0  }
0xa1: {  	[sflag:s22] =	ssyncadd.s32 s5;
	_ =	sdelay $0x1  }
0xa2: {  	s23 =	simm.s32 $0x1B8B  }
0xa3: {  	_ =	swait.ge [sflag:s23], $0x1  }
0xa4: {  	[sflag:s23] =	ssyncset.done $0x0  }
0xa5: {  	s25 =	simm.s32 $0x1B8E;
	s24 =	sld [smem:$0x3FFE];
	[sflag:s23] =	ssyncadd.s32 $0xFFFFFFFF  }
0xa6: {  	s26 =	simm.s32 $execute0_lowered;
	[smem:$0x3FD2] =	sst s25  }
0xa7: {  	s6 =	sshll.u32 s26, $0x1;
	_ =	strace $0x80000046;
	[dreg:$0x1] =	wrdreg $0xFFFFFFFF  }
0xa8: {  	s28 =	simm.s32 $_size_execute0_lowered;
	s4 =	sadd.s32 s4, s6;
	[dreg:$0x0] =	wrdreg $0x0  }
0xa9: {  	s6 =	sshll.u32 s28, $0x1;
	[dreg:$0x2] =	wrdreg s4  }
0xaa: {  	[dreg:$0x3] =	wrdreg s6  }
0xab: {  	[dreg:$0x4] =	wrdreg $0xC0  }
0xac: {  	_ =	task [dreg:s8], $0x5FFFF  }
0xad: {  	[dreg:$0x1] =	wrdreg $0xFFFFFFFF  }
0xae: {  	[dreg:$0x0] =	wrdreg $0x60  }
0xaf: {  	[dreg:$0x2] =	wrdreg s24  }
0xb0: {  	[dreg:$0x3] =	wrdreg s2  }
0xb1: {  	[dreg:$0x4] =	wrdreg s18  }
0xb2: {  	[dreg:$0x5] =	wrdreg $0x9  }
0xb3: {  	_ =	task.clear_ibuf [dreg:s8], $0x6FFFF;
	_ =	strace $0x90000046  }
0xb4: {  	s29 =	simm.s32 $0x9;
	_ =	strace $0x80000048  }
0xb5: {  	_ =	swait.ge [sflag:s29], $0x1  }
0xb6: {  	[sflag:s29] =	ssyncadd.s32 $0xFFFFFFFF  }
0xb7: {  	_ =	strace $0x90000048  }
0xb8: {  	_ =	sfence  }
0xb9: {  	s30 =	sld [smem:$0x0];
	_ =	sdelay $0x2  }
0xba: {  	s31 =	sshll.u32 s1, $0xD;
	s1 =	sshrl.u32 s1, $0x2  }
0xbb: {  	s3 =	sand.u32 $0x4000, s31;
	s1 =	sadd.s32 s1, s30  }
0xbc: {  	s0 =	sor.u32 s3, s0;
	s1 =	sshll.u32 s1, $0x11  }
0xbd: {  	s0 =	sor.u32 s1, s0  }
0xbe: {  	s0 =	sadd.s32 $0x8F2B, s0  }
0xbf: {  	[sflag:s0] =	ssyncadd.remote.s32 $0x1  }
0xc0: {  	_ =	sfence.sel $0xFFFF  }
0xc1: {  	[dreg:$0x0] =	wrdreg $0xFFFFFFFF;
	(pc) =	sbr.abs _section_cstart, $3  }
0xc2: {  	[dreg:$0x1] =	wrdreg $0xFFFFFFFF  }
0xc3: {  	_ =	task.clear_ibuf [dreg:s8], $0x2FFFF;
	_ =	strace $0x9FFFFFFF  }
0xc4: {  	(tm) =	ssettm $0x7FFFFFFF  }
0xc5: {  	_ =	shalt  }
tec
execute0_lowered:
.L_overlay_start_1:
0x0: {  	(tag) =	ssettag $0x1  }
0x1: {  	s1 =	rddreg [dreg:$0x0]  }
0x2: {  	s0 =	srdreg.scid;
	s4 =	rddreg [dreg:$0x1]  }
0x3: {  	s8 =	stileid.u32;
	s9 =	rddreg [dreg:$0x2]  }
0x4: {  	s11 =	simm.s32 $0x80;
	s12 =	simm.s32 $0xD000;
	s13 =	simm.s32 $0xD800  }
0x5: {  	s15 =	simm.s32 $0xE000;
	s17 =	simm.s32 $0xE800;
	s18 =	simm.s32 $0xF000  }
0x6: {  	s19 =	simm.s32 $0xF800;
	s20 =	simm.s32 $0x10000;
	s21 =	simm.s32 $0x10800  }
0x7: {  	s22 =	simm.s32 $0x1;
	s23 =	simm.s32 $0x2;
	s25 =	simm.s32 $0xCE80  }
0x8: {  	s0 =	sand.u32 $0x1, s0;
	s2 =	sshll.u32 s8, $0x1;
	s8 =	smul.u32 $0x1A0000, s8  }
0x9: {  	s3 =	sor.u32 s0, s2;
	s7 =	ssub.s32 $0x2, s0;
	s0 =	smul.u32 $0xD0000, s0  }
0xa: {  	s28 =	simm.s32 $0xCF80;
	s2 =	simm.s32 $0x0;
	s5 =	smul.u32 $0x1A00, s3  }
0xb: {  	s29 =	simm.s32 $0x0;
	s6 =	smul.u32 $0xD0000, s3;
	[smem:$0x7FF] =	sst s2  }
0xc: {  	s10 =	sshrl.u32 s7, $0x1;
	s3 =	sadd.s32 $0x13D62800, s1;
	_ =	strace $0x80000047  }
0xd: {  	s26 =	ssub.s32 s7, s10;
	s0 =	sadd.s32 s0, s8;
	s10 =	simm.s32 $0x3  }
0xe: {  	s6 =	sshrl.u32 s6, $0x3;
	s4 =	sadd.s32 s4, s5;
	s5 =	smax.u32 s26, $0x1  }
0xf: {  	s31 =	sor.u32 $0x2000, s0;
	s0 =	sshrl.u32 s0, $0x3;
	s26 =	simm.s32 $0xCF00  }
0x10: {  	s30 =	sadd.s32 s9, s6;
	s1 =	sshrl.u32 s31, $0x3;
	s8 =	sadd.s32 s0, s9  }
0x11: {  	s6 =	sadd.s32 $0x19800, s30;
	s7 =	sadd.s32 $0x19C00, s30;
	s9 =	sadd.s32 s1, s9  }
.LBB2_1:
0x12: {  	[tilespmem:s2], [sflag:$0x3] =	stream.linear.gather [hbm4b:s4+s2], $0xD000, $0x38;
	[tilespmem:$0x11000] =	vst v63  }
0x13: {  	_ =	swait.ge [sflag:s10], $0xD000  }
0x14: {  	[sflag:s10] =	ssyncset.done $0x0  }
0x15: {  	[sflag:s10] =	ssyncadd.s32 $0xFFFF3000  }
0x16: {  	[tilespmem:s12], [sflag:$0x1] =	stream.indirect.gather [hbm4b:s3+s11], $0x10, s2, s11, $0xb8;
	[tilespmem:$0x11000] =	vst v63  }
0x17: {  	_ = 	snop  }
0x18: {  	[tilespmem:s13], [sflag:$0x1] =	stream.indirect.gather [hbm4b:s3+s11], $0x10, s11, s11, $0xb8;
	[tilespmem:$0x11000] =	vst v63  }
0x19: {  	s0 =	simm.s32 $0x100  }
0x1a: {  	[tilespmem:s15], [sflag:$0x1] =	stream.indirect.gather [hbm4b:s3+s11], $0x10, s0, s11, $0xb8;
	[tilespmem:$0x11000] =	vst v63  }
0x1b: {  	s24 =	simm.s32 $0x180  }
0x1c: {  	[tilespmem:s17], [sflag:$0x1] =	stream.indirect.gather [hbm4b:s3+s11], $0x10, s24, s11, $0xb8;
	[tilespmem:$0x11000] =	vst v63  }
0x1d: {  	s1 =	simm.s32 $0x200  }
0x1e: {  	[tilespmem:s18], [sflag:$0x2] =	stream.indirect.gather [hbm4b:s3+s11], $0x10, s1, s11, $0xb8;
	[tilespmem:$0x11000] =	vst v63  }
0x1f: {  	s14 =	simm.s32 $0x280  }
0x20: {  	[tilespmem:s19], [sflag:$0x2] =	stream.indirect.gather [hbm4b:s3+s11], $0x10, s14, s11, $0xb8;
	[tilespmem:$0x11000] =	vst v63  }
0x21: {  	s16 =	simm.s32 $0x300  }
0x22: {  	[tilespmem:s20], [sflag:$0x2] =	stream.indirect.gather [hbm4b:s3+s11], $0x10, s16, s11, $0xb8;
	[tilespmem:$0x11000] =	vst v63  }
0x23: {  	s24 =	simm.s32 $0x380  }
0x24: {  	[tilespmem:s21], [sflag:$0x2] =	stream.indirect.gather [hbm4b:s3+s11], $0x10, s24, s11, $0xb8;
	[tilespmem:$0x11000] =	vst v63  }
0x25: {  	_ =	swait.ge [sflag:s22], $0x800  }
0x26: {  	[sflag:s22] =	ssyncset.done $0x0  }
0x27: {  	[sflag:s22] =	ssyncadd.s32 $0xFFFFF800  }
0x28: {  	_ =	swait.ge [sflag:s22], $0x800  }
0x29: {  	[sflag:s22] =	ssyncset.done $0x0  }
0x2a: {  	[sflag:s22] =	ssyncadd.s32 $0xFFFFF800  }
0x2b: {  	_ =	swait.ge [sflag:s22], $0x800  }
0x2c: {  	[sflag:s22] =	ssyncset.done $0x0  }
0x2d: {  	[sflag:s22] =	ssyncadd.s32 $0xFFFFF800  }
0x2e: {  	_ =	swait.ge [sflag:s22], $0x800  }
0x2f: {  	[sflag:s22] =	ssyncset.done $0x0  }
0x30: {  	[sflag:s22] =	ssyncadd.s32 $0xFFFFF800  }
0x31: {  	[hbm4b:s8+s2] =	stream.linear.scatter [tilespmem:s12], [sflag:$0x3], $0x2000, $0x38;
	[tilespmem:$0x11000] =	vst v63  }
0x32: {  	_ =	swait.ge [sflag:s10], $0x2000  }
0x33: {  	[sflag:s10] =	ssyncset.done $0x0  }
0x34: {  	s1 =	simm.s32 $0x400;
	[sflag:s10] =	ssyncadd.s32 $0xFFFFE000  }
0x35: {  	[tilespmem:s12], [sflag:$0x1] =	stream.indirect.gather [hbm4b:s3+s11], $0x10, s1, s11, $0xb8;
	[tilespmem:$0x11000] =	vst v63  }
0x36: {  	s14 =	simm.s32 $0x480  }
0x37: {  	[tilespmem:s13], [sflag:$0x1] =	stream.indirect.gather [hbm4b:s3+s11], $0x10, s14, s11, $0xb8;
	[tilespmem:$0x11000] =	vst v63  }
0x38: {  	s16 =	simm.s32 $0x500  }
0x39: {  	[tilespmem:s15], [sflag:$0x1] =	stream.indirect.gather [hbm4b:s3+s11], $0x10, s16, s11, $0xb8;
	[tilespmem:$0x11000] =	vst v63  }
0x3a: {  	s24 =	simm.s32 $0x580  }
0x3b: {  	[tilespmem:s17], [sflag:$0x1] =	stream.indirect.gather [hbm4b:s3+s11], $0x10, s24, s11, $0xb8;
	[tilespmem:$0x11000] =	vst v63  }
0x3c: {  	_ =	swait.ge [sflag:s23], $0x800  }
0x3d: {  	[sflag:s23] =	ssyncset.done $0x0  }
0x3e: {  	[sflag:s23] =	ssyncadd.s32 $0xFFFFF800  }
0x3f: {  	_ =	swait.ge [sflag:s23], $0x800  }
0x40: {  	[sflag:s23] =	ssyncset.done $0x0  }
0x41: {  	[sflag:s23] =	ssyncadd.s32 $0xFFFFF800  }
0x42: {  	_ =	swait.ge [sflag:s23], $0x800  }
0x43: {  	[sflag:s23] =	ssyncset.done $0x0  }
0x44: {  	[sflag:s23] =	ssyncadd.s32 $0xFFFFF800  }
0x45: {  	_ =	swait.ge [sflag:s23], $0x800  }
0x46: {  	[sflag:s23] =	ssyncset.done $0x0  }
0x47: {  	[sflag:s23] =	ssyncadd.s32 $0xFFFFF800  }
0x48: {  	[hbm4b:s9+s2] =	stream.linear.scatter [tilespmem:s18], [sflag:$0x3], $0x2000, $0x38;
	[tilespmem:$0x11000] =	vst v63  }
0x49: {  	s30 =	sadd.s32 $0x800, s9;
	s31 =	sadd.s32 $0x800, s8;
	_ =	swait.ge [sflag:s10], $0x2000  }
0x4a: {  	s0 =	simm.s32 $0x2000;
	s1 =	simm.s32 $0x400;
	[sflag:s10] =	ssyncset.done $0x0  }
.LBB2_2:
0x4b: {  	s24 =	sadd.s32 $0x200, s1  }
0x4c: {  	[sflag:s10] =	ssyncadd.s32 $0xFFFFE000;
	s14 =	smov.u32 s0;
	s16 =	sadd.s32 $0x1000, s0  }
0x4d: {  	[tilespmem:s18], [sflag:$0x2] =	stream.indirect.gather [hbm4b:s3+s11], $0x10, s24, s11, $0xb8;
	[tilespmem:$0x11000] =	vst v63  }
0x4e: {  	p0 =	sne.s32 s0, $0x32000;
	s0 =	sadd.s32 $0x280, s1  }
0x4f: {  	[tilespmem:s19], [sflag:$0x2] =	stream.indirect.gather [hbm4b:s3+s11], $0x10, s0, s11, $0xb8;
	[tilespmem:$0x11000] =	vst v63  }
0x50: {  	s0 =	sadd.s32 $0x300, s1  }
0x51: {  	[tilespmem:s20], [sflag:$0x2] =	stream.indirect.gather [hbm4b:s3+s11], $0x10, s0, s11, $0xb8;
	[tilespmem:$0x11000] =	vst v63  }
0x52: {  	s0 =	sadd.s32 $0x380, s1  }
0x53: {  	[tilespmem:s21], [sflag:$0x2] =	stream.indirect.gather [hbm4b:s3+s11], $0x10, s0, s11, $0xb8;
	[tilespmem:$0x11000] =	vst v63  }
0x54: {  	_ =	swait.ge [sflag:s22], $0x800  }
0x55: {  	[sflag:s22] =	ssyncset.done $0x0  }
0x56: {  	[sflag:s22] =	ssyncadd.s32 $0xFFFFF800  }
0x57: {  	_ =	swait.ge [sflag:s22], $0x800  }
0x58: {  	[sflag:s22] =	ssyncset.done $0x0  }
0x59: {  	[sflag:s22] =	ssyncadd.s32 $0xFFFFF800  }
0x5a: {  	_ =	swait.ge [sflag:s22], $0x800  }
0x5b: {  	[sflag:s22] =	ssyncset.done $0x0  }
0x5c: {  	[sflag:s22] =	ssyncadd.s32 $0xFFFFF800  }
0x5d: {  	_ =	swait.ge [sflag:s22], $0x800  }
0x5e: {  	[sflag:s22] =	ssyncset.done $0x0  }
0x5f: {  	[sflag:s22] =	ssyncadd.s32 $0xFFFFF800  }
0x60: {  	[hbm4b:s31+s2] =	stream.linear.scatter [tilespmem:s12], [sflag:$0x3], $0x2000, $0x38;
	[tilespmem:$0x11000] =	vst v63  }
0x61: {  	_ =	swait.ge [sflag:s10], $0x2000  }
0x62: {  	[sflag:s10] =	ssyncset.done $0x0  }
0x63: {  	s0 =	sadd.s32 $0x400, s1;
	[sflag:s10] =	ssyncadd.s32 $0xFFFFE000  }
0x64: {  	[tilespmem:s12], [sflag:$0x1] =	stream.indirect.gather [hbm4b:s3+s11], $0x10, s0, s11, $0xb8;
	[tilespmem:$0x11000] =	vst v63  }
0x65: {  	s0 =	sadd.s32 $0x480, s1  }
0x66: {  	[tilespmem:s13], [sflag:$0x1] =	stream.indirect.gather [hbm4b:s3+s11], $0x10, s0, s11, $0xb8;
	[tilespmem:$0x11000] =	vst v63  }
0x67: {  	s0 =	sadd.s32 $0x500, s1  }
0x68: {  	[tilespmem:s15], [sflag:$0x1] =	stream.indirect.gather [hbm4b:s3+s11], $0x10, s0, s11, $0xb8;
	[tilespmem:$0x11000] =	vst v63  }
0x69: {  	s0 =	sadd.s32 $0x580, s1  }
0x6a: {  	[tilespmem:s17], [sflag:$0x1] =	stream.indirect.gather [hbm4b:s3+s11], $0x10, s0, s11, $0xb8;
	[tilespmem:$0x11000] =	vst v63  }
0x6b: {  	_ =	swait.ge [sflag:s23], $0x800  }
0x6c: {  	[sflag:s23] =	ssyncset.done $0x0  }
0x6d: {  	[sflag:s23] =	ssyncadd.s32 $0xFFFFF800  }
0x6e: {  	_ =	swait.ge [sflag:s23], $0x800  }
0x6f: {  	[sflag:s23] =	ssyncset.done $0x0  }
0x70: {  	[sflag:s23] =	ssyncadd.s32 $0xFFFFF800  }
0x71: {  	_ =	swait.ge [sflag:s23], $0x800  }
0x72: {  	[sflag:s23] =	ssyncset.done $0x0  }
0x73: {  	[sflag:s23] =	ssyncadd.s32 $0xFFFFF800  }
0x74: {  	_ =	swait.ge [sflag:s23], $0x800  }
.Ltmp0:
0x75: {  	[sflag:s23] =	ssyncset.done $0x0;
	(pc) =	sbr.rel @p0 .LBB2_2-.Ltmp0, $4  }
0x76: {  	[sflag:s23] =	ssyncadd.s32 $0xFFFFF800  }
0x77: {  	[hbm4b:s30+s2] =	stream.linear.scatter [tilespmem:s18], [sflag:$0x3], $0x2000, $0x38;
	[tilespmem:$0x11000] =	vst v63  }
0x78: {  	s31 =	sadd.s32 $0x800, s31;
	s30 =	sadd.s32 $0x800, s30;
	_ =	swait.ge [sflag:s10], $0x2000  }
0x79: {  	s1 =	sshra.s32 s14, $0x2;
	s0 =	smov.u32 s16;
	[sflag:s10] =	ssyncset.done $0x0  }
0x7a: {  	s0 =	sadd.s32 $0x200, s1;
	[sflag:s10] =	ssyncadd.s32 $0xFFFFE000  }
0x7b: {  	[tilespmem:s18], [sflag:$0x2] =	stream.indirect.gather [hbm4b:s3+s11], $0x10, s0, s11, $0xb8;
	[tilespmem:$0x11000] =	vst v63  }
0x7c: {  	s14 =	sadd.s32 $0x280, s1  }
0x7d: {  	[tilespmem:s19], [sflag:$0x2] =	stream.indirect.gather [hbm4b:s3+s11], $0x10, s14, s11, $0xb8;
	[tilespmem:$0x11000] =	vst v63  }
0x7e: {  	s16 =	sadd.s32 $0x300, s1  }
0x7f: {  	[tilespmem:s20], [sflag:$0x2] =	stream.indirect.gather [hbm4b:s3+s11], $0x10, s16, s11, $0xb8;
	[tilespmem:$0x11000] =	vst v63  }
0x80: {  	s24 =	sadd.s32 $0x380, s1  }
0x81: {  	[tilespmem:s21], [sflag:$0x2] =	stream.indirect.gather [hbm4b:s3+s11], $0x10, s24, s11, $0xb8;
	[tilespmem:$0x11000] =	vst v63  }
0x82: {  	_ =	swait.ge [sflag:s22], $0x800  }
0x83: {  	[sflag:s22] =	ssyncset.done $0x0  }
0x84: {  	[sflag:s22] =	ssyncadd.s32 $0xFFFFF800  }
0x85: {  	_ =	swait.ge [sflag:s22], $0x800  }
0x86: {  	[sflag:s22] =	ssyncset.done $0x0  }
0x87: {  	[sflag:s22] =	ssyncadd.s32 $0xFFFFF800  }
0x88: {  	_ =	swait.ge [sflag:s22], $0x800  }
0x89: {  	[sflag:s22] =	ssyncset.done $0x0  }
0x8a: {  	[sflag:s22] =	ssyncadd.s32 $0xFFFFF800  }
0x8b: {  	_ =	swait.ge [sflag:s22], $0x800  }
0x8c: {  	[sflag:s22] =	ssyncset.done $0x0  }
0x8d: {  	[sflag:s22] =	ssyncadd.s32 $0xFFFFF800  }
0x8e: {  	[hbm4b:s31+s2] =	stream.linear.scatter [tilespmem:s12], [sflag:$0x3], $0x2000, $0x38;
	[tilespmem:$0x11000] =	vst v63  }
0x8f: {  	_ =	swait.ge [sflag:s10], $0x2000  }
0x90: {  	[sflag:s10] =	ssyncset.done $0x0  }
0x91: {  	s31 =	sadd.s32 $0x400, s1;
	[sflag:s10] =	ssyncadd.s32 $0xFFFFE000  }
0x92: {  	[tilespmem:s12], [sflag:$0x1] =	stream.indirect.gather [hbm4b:s3+s11], $0x10, s31, s11, $0xb8;
	[tilespmem:$0x11000] =	vst v63  }
0x93: {  	s14 =	sadd.s32 $0x480, s1  }
0x94: {  	[tilespmem:s13], [sflag:$0x1] =	stream.indirect.gather [hbm4b:s3+s11], $0x10, s14, s11, $0xb8;
	[tilespmem:$0x11000] =	vst v63  }
0x95: {  	s16 =	sadd.s32 $0x500, s1  }
0x96: {  	[tilespmem:s15], [sflag:$0x1] =	stream.indirect.gather [hbm4b:s3+s11], $0x10, s16, s11, $0xb8;
	[tilespmem:$0x11000] =	vst v63  }
0x97: {  	s24 =	sadd.s32 $0x580, s1  }
0x98: {  	[tilespmem:s17], [sflag:$0x1] =	stream.indirect.gather [hbm4b:s3+s11], $0x10, s24, s11, $0xb8;
	[tilespmem:$0x11000] =	vst v63  }
0x99: {  	_ =	swait.ge [sflag:s23], $0x800  }
0x9a: {  	[sflag:s23] =	ssyncset.done $0x0  }
0x9b: {  	[sflag:s23] =	ssyncadd.s32 $0xFFFFF800  }
0x9c: {  	_ =	swait.ge [sflag:s23], $0x800  }
0x9d: {  	[sflag:s23] =	ssyncset.done $0x0  }
0x9e: {  	[sflag:s23] =	ssyncadd.s32 $0xFFFFF800  }
0x9f: {  	_ =	swait.ge [sflag:s23], $0x800  }
0xa0: {  	[sflag:s23] =	ssyncset.done $0x0  }
0xa1: {  	[sflag:s23] =	ssyncadd.s32 $0xFFFFF800  }
0xa2: {  	_ =	swait.ge [sflag:s23], $0x800  }
0xa3: {  	[sflag:s23] =	ssyncset.done $0x0  }
0xa4: {  	[sflag:s23] =	ssyncadd.s32 $0xFFFFF800  }
0xa5: {  	[hbm4b:s30+s2] =	stream.linear.scatter [tilespmem:s18], [sflag:$0x3], $0x2000, $0x38;
	[tilespmem:$0x11000] =	vst v63  }
0xa6: {  	_ =	swait.ge [sflag:s10], $0x2000  }
0xa7: {  	[sflag:s10] =	ssyncset.done $0x0  }
0xa8: {  	s31 =	simm.s32 $0xCE00;
	[sflag:s10] =	ssyncadd.s32 $0xFFFFE000  }
0xa9: {  	[tilespmem:s18], [sflag:$0x2] =	stream.indirect.gather [hbm4b:s3+s11], $0x10, s31, s11, $0xb8;
	[tilespmem:$0x11000] =	vst v63  }
0xaa: {  	_ = 	snop  }
0xab: {  	[tilespmem:s19], [sflag:$0x2] =	stream.indirect.gather [hbm4b:s3+s11], $0x10, s25, s11, $0xb8;
	[tilespmem:$0x11000] =	vst v63  }
0xac: {  	_ = 	snop  }
0xad: {  	[tilespmem:s20], [sflag:$0x2] =	stream.indirect.gather [hbm4b:s3+s11], $0x10, s26, s11, $0xb8;
	[tilespmem:$0x11000] =	vst v63  }
0xae: {  	_ = 	snop  }
0xaf: {  	[tilespmem:s21], [sflag:$0x2] =	stream.indirect.gather [hbm4b:s3+s11], $0x10, s28, s11, $0xb8;
	[tilespmem:$0x11000] =	vst v63  }
0xb0: {  	_ =	swait.ge [sflag:s22], $0x800  }
0xb1: {  	[sflag:s22] =	ssyncset.done $0x0  }
0xb2: {  	[sflag:s22] =	ssyncadd.s32 $0xFFFFF800  }
0xb3: {  	_ =	swait.ge [sflag:s22], $0x800  }
0xb4: {  	[sflag:s22] =	ssyncset.done $0x0  }
0xb5: {  	[sflag:s22] =	ssyncadd.s32 $0xFFFFF800  }
0xb6: {  	_ =	swait.ge [sflag:s22], $0x800  }
0xb7: {  	[sflag:s22] =	ssyncset.done $0x0  }
0xb8: {  	[sflag:s22] =	ssyncadd.s32 $0xFFFFF800  }
0xb9: {  	_ =	swait.ge [sflag:s22], $0x800  }
0xba: {  	[sflag:s22] =	ssyncset.done $0x0  }
0xbb: {  	[sflag:s22] =	ssyncadd.s32 $0xFFFFF800  }
0xbc: {  	[hbm4b:s6+s2] =	stream.linear.scatter [tilespmem:s12], [sflag:$0x3], $0x2000, $0x38;
	[tilespmem:$0x11000] =	vst v63  }
0xbd: {  	_ =	swait.ge [sflag:s10], $0x2000  }
0xbe: {  	[sflag:s10] =	ssyncset.done $0x0  }
0xbf: {  	[sflag:s10] =	ssyncadd.s32 $0xFFFFE000  }
0xc0: {  	_ =	swait.ge [sflag:s23], $0x800  }
0xc1: {  	[sflag:s23] =	ssyncset.done $0x0  }
0xc2: {  	[sflag:s23] =	ssyncadd.s32 $0xFFFFF800  }
0xc3: {  	_ =	swait.ge [sflag:s23], $0x800  }
0xc4: {  	[sflag:s23] =	ssyncset.done $0x0  }
0xc5: {  	[sflag:s23] =	ssyncadd.s32 $0xFFFFF800  }
0xc6: {  	_ =	swait.ge [sflag:s23], $0x800  }
0xc7: {  	[sflag:s23] =	ssyncset.done $0x0  }
0xc8: {  	[sflag:s23] =	ssyncadd.s32 $0xFFFFF800  }
0xc9: {  	s29 =	sadd.s32 $0x1, s29;
	_ =	swait.ge [sflag:s23], $0x800  }
0xca: {  	p0 =	sne.s32 s29, s5;
	[sflag:s23] =	ssyncset.done $0x0  }
.Ltmp1:
0xcb: {  	[sflag:s23] =	ssyncadd.s32 $0xFFFFF800;
	(pc) =	sbr.rel @p0 .LBB2_1-.Ltmp1, $4  }
0xcc: {  	[hbm4b:s7+s2] =	stream.linear.scatter [tilespmem:s18], [sflag:$0x3], $0x2000, $0x38;
	[tilespmem:$0x11000] =	vst v63  }
0xcd: {  	_ =	swait.ge [sflag:s10], $0x2000  }
0xce: {  	[sflag:s10] =	ssyncset.done $0x0  }
0xcf: {  	[sflag:s10] =	ssyncadd.s32 $0xFFFFE000  }
0xd0: {  	_ =	sfence.sel $0x180000  }
0xd1: {  	[bflag:$0x0] =	sbarrier.arrive $0xFFFF  }
0xd2: {  	_ =	strace $0x90000047  }
0xd3: {  	s0 =	stileid.u32;
	[bflag:$0x2] =	sbarrier.arrive $0xFFFF  }
0xd4: {  	p0 =	sne.s32 s0, $0x0;
	s0 =	rddreg [dreg:$0x3]  }
0xd5: {  	s0 =	sadd.s32 @!p0 $0x100000, s0  }
0xd6: {  	[sflag:s0] =	ssyncadd.tile.s32 @!p0 $0x1;
	_ =	shalt  }
.Lfunc_end2:
_tile_overlayer_lowered:
.L_overlay_start_2:
0xd7: {  	(tag) =	ssettag $0x2  }
0xd8: {  	s0 =	rddreg [dreg:$0x0];
	s2 =	stileid.u32  }
0xd9: {  	s1 =	rddreg [dreg:$0x1];
	p0 =	sne.s32 s2, $0x0  }
0xda: {  	s3 =	rddreg [dreg:$0x2];
	[bflag:$0x3] =	sbarrier.arrive $0xFFFF;
	s2 =	simm.s32 @!p0 $0x1C03  }
0xdb: {  	[timem:s3], [sflag:s2] =	dma.local @!p0 [hbm:s0], s1  }
0xdc: {  	s0 =	simm.s32 @!p0 $0x3  }
0xdd: {  	_ =	swait.ge @!p0 [sflag:s0], s1  }
0xde: {  	s1 =	ssub.s32 @!p0 $0x0, s1;
	[sflag:s0] =	ssyncset.done @!p0 $0x0  }
0xdf: {  	[sflag:s0] =	ssyncadd.s32 @!p0 s1  }
0xe0: {  	[bflag:$0x3] =	sbarrier.arrive $0xFFFF  }
0xe1: {  	_ =	shalt  }

// kernel: sparse-core-data-format-call.cloned.1.call-start
scs
called_computation_lowered:
.L_overlay_start_0:
0x0: {  	s2 =	sld [smem:$0x3FD9]  }
0x1: {  	s3 =	sld [smem:$0x3FFE];
	_ =	sdelay $0x1  }
0x2: {  	s1 =	srdreg.scid  }
0x3: {  	s0 =	sand.u32 $0x1, s1  }
0x4: {  	s18 =	sshll.u32 s0, $0xA;
	s2 =	sadd.s32 s3, s2  }
0x5: {  	s2 =	sadd.s32 s2, s18  }
0x6: {  	[smem:$0x3FC6] =	sst s2  }
0x7: {  	_ = 	snop  }
0x8: {  	s2 =	sld [smem:$0x3FD0];
	(tm) =	ssettm $0x1  }
0x9: {  	s19 =	sld [smem:$0x3FFB];
	_ =	sdelay $0x3  }
0xa: {  	_ =	strace s19  }
0xb: {  	s3 =	sld [smem:$0x3FFC];
	_ =	sdelay $0x3  }
0xc: {  	_ =	strace s3  }
0xd: {  	s3 =	sld [smem:$0x3FFD];
	_ =	sdelay $0x3  }
0xe: {  	_ =	strace s3  }
0xf: {  	_ =	strace $0x8FFFFFFF  }
0x10: {  	s20 =	sld [smem:$0x3FDB];
	_ =	sdelay $0x1  }
0x11: {  	s4 =	simm.s32 $_scs_section_size  }
0x12: {  	s5 =	simm.s32 $_size__tile_overlayer_lowered;
	s6 =	simm.s32 $_tile_overlayer_lowered  }
0x13: {  	s23 =	simm.s32 $0x1BFF;
	s22 =	sshll.u32 s6, $0x1;
	s3 =	sadd.s32 s4, s20  }
0x14: {  	s7 =	simm.s32 $0x0;
	s21 =	sshll.u32 s5, $0x1;
	s5 =	sadd.s32 s22, s3  }
0x15: {  	[timem:s7], [sflag:s23] =	dma.local [hbm:s5], s21  }
0x16: {  	_ =	swait.ge [sflag:s23], s21  }
0x17: {  	s4 =	ssub.s32 $0x0, s21;
	[sflag:s23] =	ssyncset.done $0x0  }
0x18: {  	[sflag:s23] =	ssyncadd.s32 s4;
	_ =	sdelay $0x1  }
0x19: {  	s24 =	simm.s32 $0x1B8B  }
0x1a: {  	_ =	swait.ge [sflag:s24], $0x1  }
0x1b: {  	[sflag:s24] =	ssyncset.done $0x0  }
0x1c: {  	s26 =	simm.s32 $0x1B8E;
	s25 =	sld [smem:$0x3FFE];
	[sflag:s24] =	ssyncadd.s32 $0xFFFFFFFF  }
0x1d: {  	s27 =	simm.s32 $execute0_lowered;
	[smem:$0x3FD2] =	sst s26  }
0x1e: {  	s5 =	sshll.u32 s27, $0x1;
	_ =	strace $0x80000049;
	[dreg:$0x1] =	wrdreg $0xFFFFFFFF  }
0x1f: {  	s28 =	simm.s32 $_size_execute0_lowered;
	s3 =	sadd.s32 s3, s5;
	[dreg:$0x0] =	wrdreg $0x0  }
0x20: {  	s5 =	sshll.u32 s28, $0x1;
	[dreg:$0x2] =	wrdreg s3  }
0x21: {  	[dreg:$0x3] =	wrdreg s5  }
0x22: {  	[dreg:$0x4] =	wrdreg $0xC0  }
0x23: {  	_ =	task [dreg:s7], $0x5FFFF  }
0x24: {  	[dreg:$0x1] =	wrdreg $0xFFFFFFFF  }
0x25: {  	[dreg:$0x0] =	wrdreg $0x60  }
0x26: {  	[dreg:$0x2] =	wrdreg s25  }
0x27: {  	[dreg:$0x3] =	wrdreg s2  }
0x28: {  	[dreg:$0x4] =	wrdreg $0x9  }
0x29: {  	_ =	task.clear_ibuf [dreg:s7], $0x5FFFF;
	_ =	strace $0x90000049  }
0x2a: {  	s29 =	simm.s32 $0x9;
	_ =	strace $0x8000004B  }
0x2b: {  	_ =	swait.ge [sflag:s29], $0x1  }
0x2c: {  	[sflag:s29] =	ssyncadd.s32 $0xFFFFFFFF  }
0x2d: {  	_ =	strace $0x9000004B  }
0x2e: {  	_ =	sfence  }
0x2f: {  	s30 =	sld [smem:$0x0];
	_ =	sdelay $0x2  }
0x30: {  	s31 =	sshll.u32 s1, $0xD;
	s1 =	sshrl.u32 s1, $0x2  }
0x31: {  	s3 =	sand.u32 $0x4000, s31;
	s1 =	sadd.s32 s1, s30  }
0x32: {  	s0 =	sor.u32 s3, s0;
	s1 =	sshll.u32 s1, $0x11  }
0x33: {  	s0 =	sor.u32 s1, s0  }
0x34: {  	s0 =	sadd.s32 $0x8F2B, s0  }
0x35: {  	[sflag:s0] =	ssyncadd.remote.s32 $0x1  }
0x36: {  	_ =	sfence.sel $0xFFFF  }
0x37: {  	[dreg:$0x0] =	wrdreg $0xFFFFFFFF;
	(pc) =	sbr.abs _section_cstart, $3  }
0x38: {  	[dreg:$0x1] =	wrdreg $0xFFFFFFFF  }
0x39: {  	_ =	task.clear_ibuf [dreg:s7], $0x2FFFF;
	_ =	strace $0x9FFFFFFF  }
0x3a: {  	(tm) =	ssettm $0x7FFFFFFF  }
0x3b: {  	_ =	shalt  }
tec
execute0_lowered:
.L_overlay_start_1:
0x0: {  	(tag) =	ssettag $0x1  }
0x1: {  	s0 =	srdreg.scid  }
0x2: {  	s1 =	sshll.u32 s0, $0x4  }
0x3: {  	s4 =	rddreg [dreg:$0x0];
	s0 =	stileid.u32;
	s1 =	sand.u32 $0x10, s1  }
0x4: {  	s2 =	rddreg [dreg:$0x1];
	s7 =	simm.s32 $0x1;
	s1 =	sor.u32 s0, s1  }
0x5: {  	s8 =	simm.s32 $0x2;
	s11 =	simm.s32 $0x0;
	s3 =	sshll.u32 s1, $0x7  }
0x6: {  	s10 =	simm.s32 $0x0;
	s4 =	sadd.s32 $0x800, s4;
	s6 =	ssub.s32 $0x1A0000, s3  }
.Ltmp0:
0x7: {  	s1 =	rddreg [dreg:$0x2];
	s5 =	sand.u32 $0xF80, s6;
	(pc) =	sbr.rel .LBB1_1-.Ltmp0, $4  }
0x8: {  	_ =	strace $0x8000004A;
	s9 =	smov.u32 s3;
	p0 =	sne.s32 s5, $0x0  }
0x9: {  	s6 =	sshrl.u32 s6, $0xC;
	s5 =	simm.s32 $0x1;
	s7 =	simm.s32 @!p0 $0x0  }
0xa: {  	[sflag:s5] =	ssyncpa.u1 $0x0;
	p0 =	por $0x0, $0x0;
	s6 =	sadd.s32 s7, s6  }
0xb: {  	[sflag:s8] =	ssyncpa.u1 $0x0;
	s8 =	simm.s32 $0xD00000;
	s7 =	sadd.s32 $0x1, s6  }
.LBB1_4:
0xc: {  	s14 =	sshll.u32 s11, $0x3  }
0xd: {  	s30 =	sand.u32 $0x7F, s11;
	s15 =	sand.u32 $0xFFFFFC00, s14  }
0xe: {  	s11 =	sor.u32 s30, s15  }
0xf: {  	s15 =	smulhi.u32 $0x4EC4EC4F, s11  }
0x10: {  	s14 =	smulhi.u32 $0x4EC4EC4F, s14  }
0x11: {  	s15 =	sshrl.u32 s15, $0x13  }
0x12: {  	s14 =	sshrl.u32 s14, $0x13;
	s15 =	smul.u32 $0x1A0000, s15  }
0x13: {  	[tilespmem:s12+$0xFFFFFFFC ss:$0x81] =	vst.msk $0xffff, v1;
	s14 =	sand.u32 $0xF, s14  }
0x14: {  	[tilespmem:s12+$0xFFFFFFFD ss:$0x81] =	vst.msk $0xffff, v2;
	s14 =	smul.u32 $0x34000, s14;
	s11 =	ssub.s32 s11, s15  }
0x15: {  	[tilespmem:s12+$0xFFFFFFFE ss:$0x81] =	vst.msk $0xffff, v0;
	s15 =	sand.u32 $0x7, s11  }
0x16: {  	[tilespmem:s12+$0xFFFFFFFF ss:$0x81] =	vst.msk $0xffff, v4;
	s14 =	sadd.s32 s2, s14;
	s11 =	sshrl.u32 s11, $0x3;
	s15 =	sshll.u32 s15, $0x12  }
0x17: {  	[tilespmem:s12+$0xFFFFFFF9 ss:$0x81] =	vst.msk $0xffff, v3;
	s11 =	sadd.s32 s11, s14;
	s31 =	sor.u32 $0x400, s15  }
0x18: {  	[hbm4b:s11+s31] =	stream.strided.scatter [tilespmem:s13], [sflag:$0x2], $0x800, s8, s31, $0x20;
	[tilespmem:$0x2020] =	vst v63  }
.LBB1_5:
0x19: {  	s13 =	sadd.s32 $0x1000, s9  }
0x1a: {  	p2 =	sgt.s32 s13, $0x19FFFF  }
0x1b: {  	s13 =	smov.u32 @p2 s3;
	p2 =	sne.s32 s10, s7  }
.Ltmp1:
0x1c: {  	p1 =	slt.u32 s10, $0x2;
	(pc) =	sbr.rel @!p2 .LBB1_6-.Ltmp1, $4  }
0x1d: {  	s12 =	simm.s32 @!p1 $0x2  }
0x1e: {  	s14 =	sadd.s32 $0x1, s10;
	_ =	swait.ge @!p1 [sflag:s12], $0x800  }
0x1f: {  	s11 =	smov.u32 s9;
	p0 =	por !p0, !p0;
	[sflag:s12] =	ssyncset.done @!p1 $0x0  }
0x20: {  	s10 =	smov.u32 s14;
	s9 =	smov.u32 s13;
	[sflag:s12] =	ssyncadd.s32 @!p1 $0xFFFFF800  }
.LBB1_1:
0x21: {  	p1 =	sge.u32 s10, s6  }
0x22: {  	s12 =	sand.u32 @!p1 $0x1FFFFFF, s9  }
0x23: {  	s13 =	smulhi.u32 @!p1 $0x2762763, s12;
	_ =	sdelay $0x1  }
0x24: {  	s13 =	sshrl.u32 @!p1 s13, $0xE  }
0x25: {  	s13 =	smul.u32 @!p1 $0x1A0000, s13;
	_ =	sdelay $0x1  }
0x26: {  	s31 =	sadd.s32 $0xFFFFFFFF, s10;
	s14 =	sxor.u32 @!p1 $0xFFFFFFFF, s10;
	s12 =	ssub.s32 @!p1 s12, s13  }
0x27: {  	s15 =	simm.s32 @!p1 $0x80;
	s14 =	sshll.u32 @!p1 s14, $0xB;
	s12 =	sshll.u32 @!p1 s12, $0x4  }
0x28: {  	s13 =	sand.u32 @!p1 $0x800, s14;
	s14 =	simm.s32 @!p1 $0x10;
	s12 =	sadd.s32 @!p1 s4, s12  }
0x29: {  	[tilespmem:s13], [sflag:$0x1] =	stream.strided.gather @!p1 [hbm4b:s12+s14], $0x800, s15, s14, $0x38;
	[tilespmem:$0x2020] =	vst v63  }
0x2a: {  	p1 =	sge.u32 s31, s6  }
.Ltmp2:
0x2b: {  	_ = 	snop;
	(pc) =	sbr.rel @p1 .LBB1_5-.Ltmp2, $1  }
0x2c: {  	_ =	sdelay $0x3  }
0x2d: {  	s12 =	simm.s32 $0x1  }
0x2e: {  	_ =	swait.ge [sflag:s5], $0x800;
	s12 =	simm.s32 @!p0 $0x0  }
0x2f: {  	[sflag:s5] =	ssyncset.done $0x0;
	s13 =	sshll.u32 s12, $0xB  }
0x30: {  	[sflag:s5] =	ssyncadd.s32 $0xFFFFF800;
	s15 =	sor.u32 $0x40, s13  }
0x31: {  	v3 =	vld [tilespmem:s15+$0x30]  }
0x32: {  	s12 =	smul.u32 $0x2040, s12;
	v4 =	vld [tilespmem:s15+$0xFFFFFFD0]  }
0x33: {  	v5 =	vld [tilespmem:s15+$0xFFFFFFE0]  }
0x34: {  	s31 =	sand.u32 $0x1, s10;
	s12 =	sshrl.u32 s12, $0x2;
	v1 =	vld [tilespmem:s15+$0xFFFFFFF0]  }
0x35: {  	s13 =	smul.u32 $0x2040, s31;
	v2 =	vld [tilespmem:s15+$0x0];
	s12 =	sor.u32 $0x1007, s12  }
0x36: {  	v0 =	vld [tilespmem:s15+$0x10];
	[tilespmem:s12+$0x0 ss:$0x81] =	vst.msk $0xffff, v3  }
0x37: {  	s13 =	sshrl.u32 s13, $0x2;
	[tilespmem:s12+$0xFFFFFFFA ss:$0x81] =	vst.msk $0xffff, v4;
	v4 =	vld [tilespmem:s15+$0x20]  }
0x38: {  	s14 =	simm.s32 $0x0;
	s13 =	sor.u32 $0x1000, s13;
	v3 =	vld [tilespmem:s15+$0xFFFFFFC0];
	[tilespmem:s12+$0xFFFFFFFB ss:$0x81] =	vst.msk $0xffff, v5;
	s15 =	sadd.s32 $0x80, s15  }
.LBB1_3:
0x39: {  	v5 =	vld [tilespmem:s15+$0x30];
	s14 =	sadd.s32 $0x8, s14;
	[tilespmem:s12+$0xFFFFFFFC ss:$0x81] =	vst.msk $0xffff, v1  }
0x3a: {  	v6 =	vld [tilespmem:s15+$0xFFFFFFD0];
	p1 =	slt.u32 s14, $0x78;
	[tilespmem:s12+$0xFFFFFFFD ss:$0x81] =	vst.msk $0xffff, v2  }
0x3b: {  	v7 =	vld [tilespmem:s15+$0xFFFFFFE0];
	[tilespmem:s12+$0xFFFFFFFE ss:$0x81] =	vst.msk $0xffff, v0  }
.Ltmp3:
0x3c: {  	v1 =	vld [tilespmem:s15+$0xFFFFFFF0];
	[tilespmem:s12+$0xFFFFFFFF ss:$0x81] =	vst.msk $0xffff, v4;
	(pc) =	sbr.rel @p1 .LBB1_3-.Ltmp3, $4  }
0x3d: {  	v2 =	vld [tilespmem:s15+$0x0];
	[tilespmem:s12+$0xFFFFFFF9 ss:$0x81] =	vst.msk $0xffff, v3;
	s12 =	sadd.s32 $0x8, s12  }
0x3e: {  	v0 =	vld [tilespmem:s15+$0x10];
	[tilespmem:s12+$0x0 ss:$0x81] =	vst.msk $0xffff, v5  }
0x3f: {  	[tilespmem:s12+$0xFFFFFFFA ss:$0x81] =	vst.msk $0xffff, v6;
	v4 =	vld [tilespmem:s15+$0x20]  }
0x40: {  	v3 =	vld [tilespmem:s15+$0xFFFFFFC0];
	[tilespmem:s12+$0xFFFFFFFB ss:$0x81] =	vst.msk $0xffff, v7;
	s15 =	sadd.s32 $0x80, s15  }
.Ltmp4:
0x41: {  	_ = 	snop;
	(pc) =	sbr.rel .LBB1_4-.Ltmp4, $1  }
0x42: {  	_ =	sdelay $0x3  }
.LBB1_6:
0x43: {  	_ =	sfence.sel $0x180000  }
0x44: {  	s2 =	simm.s32 $0x1;
	[bflag:$0x0] =	sbarrier.arrive $0xFFFF  }
0x45: {  	s31 =	simm.s32 $0x2;
	[sflag:s2] =	ssyncpa.u1 $0x1  }
0x46: {  	[sflag:s31] =	ssyncpa.u1 $0x1  }
0x47: {  	p0 =	sne.s32 s0, $0x0;
	_ =	strace $0x9000004A  }
0x48: {  	s0 =	sadd.s32 @!p0 $0x100000, s1;
	[bflag:$0x2] =	sbarrier.arrive $0xFFFF  }
0x49: {  	[sflag:s0] =	ssyncadd.tile.s32 @!p0 $0x1;
	_ =	shalt  }
.Lfunc_end1:
_tile_overlayer_lowered:
.L_overlay_start_2:
0x4a: {  	(tag) =	ssettag $0x2  }
0x4b: {  	s0 =	rddreg [dreg:$0x0];
	s2 =	stileid.u32  }
0x4c: {  	s1 =	rddreg [dreg:$0x1];
	p0 =	sne.s32 s2, $0x0  }
0x4d: {  	s3 =	rddreg [dreg:$0x2];
	[bflag:$0x3] =	sbarrier.arrive $0xFFFF;
	s2 =	simm.s32 @!p0 $0x1C01  }
0x4e: {  	[timem:s3], [sflag:s2] =	dma.local @!p0 [hbm:s0], s1  }
0x4f: {  	s0 =	simm.s32 @!p0 $0x1  }
0x50: {  	_ =	swait.ge @!p0 [sflag:s0], s1  }
0x51: {  	s1 =	ssub.s32 @!p0 $0x0, s1;
	[sflag:s0] =	ssyncset.done @!p0 $0x0  }
0x52: {  	[sflag:s0] =	ssyncadd.s32 @!p0 s1  }
0x53: {  	[bflag:$0x3] =	sbarrier.arrive $0xFFFF  }
0x54: {  	_ =	shalt  }

</sc_bundles>
